<compile_context>
chip_gen: v7x
topology: tpu7x:2x2x1
jax: 0.10.2.dev20260603
libtpu: 0.0.44.dev20260713+nightly
codegen_flags: <defaults>
</compile_context>

<pallas_src>
import functools

import jax
import jax.numpy as jnp
from jax import lax
from jax.experimental import pallas as pl
from jax.experimental.pallas import tpu as pltpu
from jax.experimental.pallas import tpu_sc as plsc

H = 768
E = 64
BASE_K = 8
MIN_K = 4
MAX_K = 12
AUX_W = 0.01
ENT_W = 0.001

T = 512
NEG = -3.0e38

NW = 32
C = 256
L = 16


def _logits_block(x_ref, wg_ref, w1_ref, b1_ref, w2_ref, b2_ref,
                  logit_ref, kf_ref, ksum_ref, esum_ref):
    i = pl.program_id(0)
    x = x_ref[...]
    xb = x.astype(jnp.bfloat16)
    wgb = wg_ref[...].astype(jnp.bfloat16)
    w1b = w1_ref[...].astype(jnp.bfloat16)
    logits = jnp.dot(xb, wgb, preferred_element_type=jnp.float32)
    h1_pre = jnp.dot(xb, w1b, preferred_element_type=jnp.float32)
    h1_pre = h1_pre + b1_ref[...]
    h1 = h1_pre * jax.nn.sigmoid(h1_pre)
    h1b = h1.astype(jnp.bfloat16).astype(jnp.float32)
    w2b = w2_ref[...].astype(jnp.bfloat16).astype(jnp.float32)
    d_pre = jnp.sum(h1b * w2b, axis=-1, keepdims=True) + b2_ref[...]
    difficulty = jax.nn.sigmoid(d_pre)
    k_float = MIN_K + difficulty * (MAX_K - MIN_K)
    k_int = jnp.clip(jnp.round(k_float), float(MIN_K), float(MAX_K))

    logit_ref[...] = logits
    kf_ref[...] = k_int

    d1 = difficulty
    ent = d1 * jnp.log(d1 + 1e-8) + (1.0 - d1) * jnp.log(1.0 - d1 + 1e-8)
    ksum_part = jnp.sum(k_float).reshape(1, 1)
    esum_part = jnp.sum(ent).reshape(1, 1)

    @pl.when(i == 0)
    def _init():
        ksum_ref[...] = ksum_part
        esum_ref[...] = esum_part

    @pl.when(i != 0)
    def _acc():
        ksum_ref[...] += ksum_part
        esum_ref[...] += esum_part


def _tree(vs, op):
    while len(vs) > 1:
        nxt = [op(vs[i], vs[i + 1]) for i in range(0, len(vs) - 1, 2)]
        if len(vs) % 2:
            nxt.append(vs[-1])
        vs = nxt
    return vs[0]


def _make_sc_route(N):
    TW = N // NW
    G = C // L
    mesh = plsc.VectorSubcoreMesh(core_axis_name="c", subcore_axis_name="s")

    @functools.partial(
        pl.kernel, mesh=mesh,
        out_type=[jax.ShapeDtypeStruct((N * E,), jnp.float32),
                  jax.ShapeDtypeStruct((NW, E), jnp.float32)],
        scratch_types=[pltpu.VMEM((C * E,), jnp.float32),
                       pltpu.VMEM((C * E,), jnp.float32),
                       pltpu.VMEM((TW + L,), jnp.float32)],
        compiler_params=pltpu.CompilerParams(needs_layout_passes=False),
    )
    def _sc_route(logits_hbm, kf_hbm, out_hbm, tpe_hbm, inb, outb, kb):
        wid = lax.axis_index("s") * 2 + lax.axis_index("c")
        base = wid * TW
        pltpu.sync_copy(kf_hbm.at[pl.ds(base, TW)], kb.at[pl.ds(0, TW)])
        iota = lax.iota(jnp.int32, L)
        zero = jnp.zeros((L,), jnp.float32)

        def chunk_body(c, acc):
            cb = base + c * C
            pltpu.sync_copy(logits_hbm.at[pl.ds(cb * E, C * E)], inb)

            def token_body(t, acc2):
                off = t * E
                lv = [inb[pl.ds(off + j * L, L)] for j in range(4)]
                sv = [lax.sort(v) for v in lv]
                m01 = lax.sort(jnp.maximum(sv[0], lax.rev(sv[1], (0,))))
                m23 = lax.sort(jnp.maximum(sv[2], lax.rev(sv[3], (0,))))
                m = lax.sort(jnp.maximum(m01, lax.rev(m23, (0,))))
                mx = jnp.max(m)
                k = kb[pl.ds(c * C + t, L)][0].astype(jnp.int32)
                thresh = jnp.max(jnp.where(iota == (L - k), m, NEG))
                ev = [jnp.where(v >= thresh, jnp.exp(v - mx), 0.0) for v in lv]
                s_tot = jnp.sum(ev[0] + ev[1] + ev[2] + ev[3])
                s_vec = zero + s_tot
                wv = []
                for j in range(4):
                    w = ev[j] / s_vec
                    outb[pl.ds(off + j * L, L)] = w
                    wv.append(w)
                return (acc2[0] + wv[0], acc2[1] + wv[1],
                        acc2[2] + wv[2], acc2[3] + wv[3])

            acc = lax.fori_loop(0, C, token_body, acc)
            pltpu.sync_copy(outb, out_hbm.at[pl.ds(cb * E, C * E)])
            return acc

        acc = lax.fori_loop(0, TW // C, chunk_body, (zero, zero, zero, zero))

        def wr_tpe(tpeb):
            for j in range(4):
                tpeb[pl.ds(j * L, L)] = acc[j]
            pltpu.sync_copy(tpeb, tpe_hbm.at[wid])
        pl.run_scoped(wr_tpe, pltpu.VMEM((E,), jnp.float32))

    return _sc_route


def kernel(hidden_states, W_gate, W1, b1, W2, b2):
    B, S, _ = hidden_states.shape
    N = B * S
    x2d = hidden_states.reshape(N, H)
    wgT = W_gate.T
    w1T = W1.T
    Hq = W1.shape[0]
    b1r = b1.reshape(1, Hq)
    w2r = W2.reshape(1, Hq)
    b2r = b2.reshape(1, 1)

    grid = (N // T,)
    logits, kf, ksum, esum = pl.pallas_call(
        _logits_block,
        grid=grid,
        in_specs=[
            pl.BlockSpec((T, H), lambda i: (i, 0)),
            pl.BlockSpec((H, E), lambda i: (0, 0)),
            pl.BlockSpec((H, Hq), lambda i: (0, 0)),
            pl.BlockSpec((1, Hq), lambda i: (0, 0)),
            pl.BlockSpec((1, Hq), lambda i: (0, 0)),
            pl.BlockSpec((1, 1), lambda i: (0, 0)),
        ],
        out_specs=[
            pl.BlockSpec((T, E), lambda i: (i, 0)),
            pl.BlockSpec((T, 1), lambda i: (i, 0)),
            pl.BlockSpec((1, 1), lambda i: (0, 0)),
            pl.BlockSpec((1, 1), lambda i: (0, 0)),
        ],
        out_shape=[
            jax.ShapeDtypeStruct((N, E), jnp.float32),
            jax.ShapeDtypeStruct((N, 1), jnp.float32),
            jax.ShapeDtypeStruct((1, 1), jnp.float32),
            jax.ShapeDtypeStruct((1, 1), jnp.float32),
        ],
        compiler_params=pltpu.CompilerParams(
            dimension_semantics=("arbitrary",),
        ),
    )(x2d, wgT, w1T, b1r, w2r, b2r)

    wflat, tpe_w = _make_sc_route(N)(logits.reshape(N * E), kf.reshape(N))
    routing_weights = wflat.reshape(B, S, E)
    tpe_w = tpe_w.reshape(NW, E)

    avg_k = ksum[0, 0] / N
    k_penalty = jax.nn.relu(BASE_K - avg_k) ** 2
    tpe_v = jnp.sum(tpe_w, axis=0)
    mean_tpe = jnp.mean(tpe_v)
    balance_loss = jnp.sum((tpe_v - mean_tpe) ** 2) / (E - 1) / (mean_tpe + 1e-8)
    entropy_bonus = esum[0, 0] / N
    aux_loss = AUX_W * (k_penalty + balance_loss) + ENT_W * entropy_bonus
    return routing_weights, aux_loss

# --- scband reference (transcript-rebuilt; emitter-appended) ---
"""Pipeline reference for scband-dynamic-sparsity-router-89945205113688 (READ-ONLY COPY).

The authoritative reference and input builder live on the scoring server;
editing this copy changes nothing except your own understanding.
"""

import jax, jax.numpy as jnp
import numpy as np

H = 768
E = 64
BASE_K = 8
MIN_K = 4
MAX_K = 12
AUX_W = 0.01
ENT_W = 0.001
B, S = 4, 8192


def setup_inputs(seed: int = 0) -> dict:
    key = jax.random.key(seed)
    k1, k2, k3, k4 = jax.random.split(key, 4)
    Hq = H // 4
    hidden_states = jax.random.normal(k1, (B, S, H), dtype=jnp.float32)
    W_gate = jax.random.normal(k2, (E, H), dtype=jnp.float32) * (H ** -0.5)
    W1 = jax.random.normal(k3, (Hq, H), dtype=jnp.float32) * (H ** -0.5)
    b1 = jnp.zeros((Hq,), dtype=jnp.float32)
    W2 = jax.random.normal(k4, (1, Hq), dtype=jnp.float32) * (Hq ** -0.5)
    b2 = jnp.zeros((1,), dtype=jnp.float32)
    return {"hidden_states": hidden_states, "W_gate": W_gate, "W1": W1, "b1": b1, "W2": W2, "b2": b2}


def reference(hidden_states, W_gate, W1, b1, W2, b2):
    # gate logits: nn.Linear(H, E, bias=False) -> x @ W.T
    gate_logits = jnp.einsum('bsh,eh->bse', hidden_states, W_gate)
    # difficulty head on detached input
    xd = jax.lax.stop_gradient(hidden_states)
    h1 = jax.nn.silu(jnp.einsum('bsh,qh->bsq', xd, W1) + b1)
    difficulty = jax.nn.sigmoid(jnp.einsum('bsq,oq->bso', h1, W2) + b2)[..., 0]  # [B,S]
    k_float = MIN_K + difficulty * (MAX_K - MIN_K)
    k_int = jnp.clip(jnp.round(k_float), MIN_K, MAX_K).astype(jnp.int32)
    # sort logits descending per token
    sorted_idx = jnp.argsort(-gate_logits, axis=-1)
    sorted_logits = jnp.take_along_axis(gate_logits, sorted_idx, axis=-1)
    positions = jnp.arange(E)[None, None, :]
    mask = (positions < k_int[..., None]).astype(jnp.float32)
    masked_logits = sorted_logits * mask + (-1e9) * (1.0 - mask)
    sorted_weights = jax.nn.softmax(masked_logits, axis=-1) * mask
    # scatter back to original expert order via inverse permutation
    inv_idx = jnp.argsort(sorted_idx, axis=-1)
    routing_weights = jnp.take_along_axis(sorted_weights, inv_idx, axis=-1)
    # aux losses
    avg_k = jnp.mean(k_float)
    k_penalty = jax.nn.relu(BASE_K - avg_k) ** 2
    tokens_per_expert = jnp.sum(routing_weights, axis=(0, 1))
    balance_loss = jnp.var(tokens_per_expert, ddof=1) / (jnp.mean(tokens_per_expert) + 1e-8)
    diff_entropy = -jnp.mean(difficulty * jnp.log(difficulty + 1e-8) + (1.0 - difficulty) * jnp.log(1.0 - difficulty + 1e-8))
    entropy_bonus = -diff_entropy
    aux_loss = AUX_W * (k_penalty + balance_loss) + ENT_W * entropy_bonus
    return routing_weights, aux_loss

if __name__ == "__main__":
    import jax
    _d = setup_inputs()
    print(jax.jit(kernel)(*tuple(_d.values())))

</pallas_src>

<mosaic_0001>
#map = affine_map<(d0, d1) -> (0)>
#map1 = affine_map<(d0, d1) -> (0, 0)>
module attributes {stable_mosaic.version = 14 : i64} {
  func.func @_sc_route(%arg0: i32, %arg1: i32, %arg2: memref<2097152xf32, #tpu.memory_space<hbm>>, %arg3: memref<32768xf32, #tpu.memory_space<hbm>>, %arg4: memref<2097152xf32, #tpu.memory_space<hbm>>, %arg5: memref<32x64xf32, #tpu.memory_space<hbm>>, %arg6: memref<16384xf32, #tpu.memory_space<vmem>>, %arg7: memref<16384xf32, #tpu.memory_space<vmem>>, %arg8: memref<1040xf32, #tpu.memory_space<vmem>>) attributes {dimension_semantics = [#tpu.dimension_semantics<core_parallel>, #tpu.dimension_semantics<subcore_parallel>], iteration_bounds = array<i64: 2, 16>, scalar_prefetch = 0 : i64, scratch_operands = 3 : i64, tpu.core_type = #tpu.core_type<sc_vector_subcore>, window_params = [{transform_indices = #map}, {transform_indices = #map}, {transform_indices = #map}, {transform_indices = #map1}]} {
    %mul3A = arith.constant 2 : i32
    %mul3A_0 = arith.muli %arg1, %mul3A : i32
    %add3A = arith.addi %mul3A_0, %arg0 : i32
    %mul3A_1 = arith.constant 1024 : i32
    %mul3A_2 = arith.muli %add3A, %mul3A_1 : i32
    "tpu.region"() ({
      %run_scoped3A = tpu.sem_alloc : memref<!tpu.dma_semaphore, #tpu.memory_space<semaphore_mem>>
      %dma_start3A = arith.constant 0 : i32
      %dma_start3A_9 = tpu.memref_slice %arg8[%dma_start3A] : memref<1040xf32, #tpu.memory_space<vmem>> -> memref<1024xf32, #tpu.memory_space<vmem>>
      %dma_start3A_10 = tpu.memref_slice %arg3[%mul3A_2] : memref<32768xf32, #tpu.memory_space<hbm>> -> memref<1024xf32, #tpu.memory_space<hbm>>
      %dma_start3A_11 = arith.constant 0 : i32
      %dma_start3A_12 = tpu.memref_slice %arg8[%dma_start3A_11] : memref<1040xf32, #tpu.memory_space<vmem>> -> memref<1024xf32, #tpu.memory_space<vmem>>
      %dma_start3A_13 = tpu.memref_slice %arg3[%mul3A_2] : memref<32768xf32, #tpu.memory_space<hbm>> -> memref<1024xf32, #tpu.memory_space<hbm>>
      tpu.enqueue_dma source(%dma_start3A_13 : memref<1024xf32, #tpu.memory_space<hbm>>) target(%dma_start3A_12 : memref<1024xf32, #tpu.memory_space<vmem>>) target_semaphore(%run_scoped3A : memref<!tpu.dma_semaphore, #tpu.memory_space<semaphore_mem>>)
      %dma_wait3A = arith.constant 0 : i32
      %dma_wait3A_14 = tpu.memref_slice %arg8[%dma_wait3A] : memref<1040xf32, #tpu.memory_space<vmem>> -> memref<1024xf32, #tpu.memory_space<vmem>>
      %dma_wait3A_15 = tpu.memref_slice %arg3[%mul3A_2] : memref<32768xf32, #tpu.memory_space<hbm>> -> memref<1024xf32, #tpu.memory_space<hbm>>
      %dma_wait3A_16 = arith.constant 0 : i32
      %dma_wait3A_17 = tpu.memref_slice %arg8[%dma_wait3A_16] : memref<1040xf32, #tpu.memory_space<vmem>> -> memref<1024xf32, #tpu.memory_space<vmem>>
      %dma_wait3A_18 = tpu.memref_slice %arg3[%mul3A_2] : memref<32768xf32, #tpu.memory_space<hbm>> -> memref<1024xf32, #tpu.memory_space<hbm>>
      tpu.wait_dma2 semaphore(%run_scoped3A : memref<!tpu.dma_semaphore, #tpu.memory_space<semaphore_mem>>) src(%dma_wait3A_18 : memref<1024xf32, #tpu.memory_space<hbm>>) dst(%dma_wait3A_17 : memref<1024xf32, #tpu.memory_space<vmem>>)
      tpu.yield
    }) : () -> ()
    %iota3A = tpu.iota {dimensions = array<i32: 0>} : vector<16xi32>
    %broadcast_in_dim3A = arith.constant 0.000000e+00 : f32
    %broadcast_in_dim3A_3 = vector.broadcast %broadcast_in_dim3A : f32 to vector<16xf32>
    %scan3A = arith.constant 0 : i32
    %scan3A_4 = arith.constant 4 : i32
    %scan3A_5 = arith.addi %scan3A, %scan3A_4 : i32
    %scan3A_6 = arith.constant 1 : i32
    %scan3A_7:4 = scf.for %scan3A_9 = %scan3A to %scan3A_5 step %scan3A_6 iter_args(%scan3A_10 = %broadcast_in_dim3A_3, %scan3A_11 = %broadcast_in_dim3A_3, %scan3A_12 = %broadcast_in_dim3A_3, %scan3A_13 = %broadcast_in_dim3A_3) -> (vector<16xf32>, vector<16xf32>, vector<16xf32>, vector<16xf32>)  : i32 {
      %mul3A_14 = arith.constant 256 : i32
      %mul3A_15 = arith.muli %scan3A_9, %mul3A_14 : i32
      %add3A_16 = arith.addi %mul3A_2, %mul3A_15 : i32
      %mul3A_17 = arith.constant 64 : i32
      %mul3A_18 = arith.muli %add3A_16, %mul3A_17 : i32
      "tpu.region"() ({
        %run_scoped3A = tpu.sem_alloc : memref<!tpu.dma_semaphore, #tpu.memory_space<semaphore_mem>>
        %dma_start3A = tpu.memref_slice %arg2[%mul3A_18] : memref<2097152xf32, #tpu.memory_space<hbm>> -> memref<16384xf32, #tpu.memory_space<hbm>>
        %dma_start3A_27 = tpu.memref_slice %arg2[%mul3A_18] : memref<2097152xf32, #tpu.memory_space<hbm>> -> memref<16384xf32, #tpu.memory_space<hbm>>
        tpu.enqueue_dma source(%dma_start3A_27 : memref<16384xf32, #tpu.memory_space<hbm>>) target(%arg6 : memref<16384xf32, #tpu.memory_space<vmem>>) target_semaphore(%run_scoped3A : memref<!tpu.dma_semaphore, #tpu.memory_space<semaphore_mem>>)
        %dma_wait3A = tpu.memref_slice %arg2[%mul3A_18] : memref<2097152xf32, #tpu.memory_space<hbm>> -> memref<16384xf32, #tpu.memory_space<hbm>>
        %dma_wait3A_28 = tpu.memref_slice %arg2[%mul3A_18] : memref<2097152xf32, #tpu.memory_space<hbm>> -> memref<16384xf32, #tpu.memory_space<hbm>>
        tpu.wait_dma2 semaphore(%run_scoped3A : memref<!tpu.dma_semaphore, #tpu.memory_space<semaphore_mem>>) src(%dma_wait3A_28 : memref<16384xf32, #tpu.memory_space<hbm>>) dst(%arg6 : memref<16384xf32, #tpu.memory_space<vmem>>)
        tpu.yield
      }) : () -> ()
      %scan3A_19 = arith.constant 0 : i32
      %scan3A_20 = arith.constant 256 : i32
      %scan3A_21 = arith.addi %scan3A_19, %scan3A_20 : i32
      %scan3A_22 = arith.constant 1 : i32
      %scan3A_23:4 = scf.for %scan3A_27 = %scan3A_19 to %scan3A_21 step %scan3A_22 iter_args(%scan3A_28 = %scan3A_10, %scan3A_29 = %scan3A_11, %scan3A_30 = %scan3A_12, %scan3A_31 = %scan3A_13) -> (vector<16xf32>, vector<16xf32>, vector<16xf32>, vector<16xf32>)  : i32 {
        %mul3A_32 = arith.constant 64 : i32
        %mul3A_33 = arith.muli %scan3A_27, %mul3A_32 : i32
        %add3A_34 = arith.constant 0 : i32
        %add3A_35 = arith.addi %mul3A_33, %add3A_34 : i32
        %get3A = arith.index_cast %add3A_35 : i32 to index
        %get3A_36 = tpu.vector_load %arg6[%get3A] {strides = array<i32>} : memref<16384xf32, #tpu.memory_space<vmem>>, vector<16xf32>,
        %add3A_37 = arith.constant 16 : i32
        %add3A_38 = arith.addi %mul3A_33, %add3A_37 : i32
        %get3A_39 = arith.index_cast %add3A_38 : i32 to index
        %get3A_40 = tpu.vector_load %arg6[%get3A_39] {strides = array<i32>} : memref<16384xf32, #tpu.memory_space<vmem>>, vector<16xf32>,
        %add3A_41 = arith.constant 32 : i32
        %add3A_42 = arith.addi %mul3A_33, %add3A_41 : i32
        %get3A_43 = arith.index_cast %add3A_42 : i32 to index
        %get3A_44 = tpu.vector_load %arg6[%get3A_43] {strides = array<i32>} : memref<16384xf32, #tpu.memory_space<vmem>>, vector<16xf32>,
        %add3A_45 = arith.constant 48 : i32
        %add3A_46 = arith.addi %mul3A_33, %add3A_45 : i32
        %get3A_47 = arith.index_cast %add3A_46 : i32 to index
        %get3A_48 = tpu.vector_load %arg6[%get3A_47] {strides = array<i32>} : memref<16384xf32, #tpu.memory_space<vmem>>, vector<16xf32>,
        %sort3A = arith.constant dense<true> : vector<16xi1>
        %sort3A_49, %sort3A_50, %sort3A_51 = tpu.sort %get3A_36, %get3A_36 masked %sort3A : (vector<16xf32>, vector<16xf32>, vector<16xi1>) -> (vector<16xi1>, vector<16xf32>, vector<16xf32>)
        %sort3A_52 = arith.constant dense<true> : vector<16xi1>
        %sort3A_53, %sort3A_54, %sort3A_55 = tpu.sort %get3A_40, %get3A_40 masked %sort3A_52 : (vector<16xf32>, vector<16xf32>, vector<16xi1>) -> (vector<16xi1>, vector<16xf32>, vector<16xf32>)
        %sort3A_56 = arith.constant dense<true> : vector<16xi1>
        %sort3A_57, %sort3A_58, %sort3A_59 = tpu.sort %get3A_44, %get3A_44 masked %sort3A_56 : (vector<16xf32>, vector<16xf32>, vector<16xi1>) -> (vector<16xi1>, vector<16xf32>, vector<16xf32>)
        %sort3A_60 = arith.constant dense<true> : vector<16xi1>
        %sort3A_61, %sort3A_62, %sort3A_63 = tpu.sort %get3A_48, %get3A_48 masked %sort3A_60 : (vector<16xf32>, vector<16xf32>, vector<16xi1>) -> (vector<16xi1>, vector<16xf32>, vector<16xf32>)
        %rev3A = arith.constant 15 : i32
        %rev3A_64 = vector.broadcast %rev3A : i32 to vector<16xi32>
        %rev3A_65 = tpu.iota {dimensions = array<i32: 0>} : vector<16xi32>
        %rev3A_66 = arith.subi %rev3A_64, %rev3A_65 : vector<16xi32>
        %rev3A_67 = tpu.dynamic_gather %sort3A_54[%rev3A_66] in [0] : vector<16xf32>, vector<16xi32> -> vector<16xf32>
        %max3A = arith.maximumf %sort3A_50, %rev3A_67 : vector<16xf32>
        %sort3A_68 = arith.constant dense<true> : vector<16xi1>
        %sort3A_69, %sort3A_70, %sort3A_71 = tpu.sort %max3A, %max3A masked %sort3A_68 : (vector<16xf32>, vector<16xf32>, vector<16xi1>) -> (vector<16xi1>, vector<16xf32>, vector<16xf32>)
        %rev3A_72 = arith.constant 15 : i32
        %rev3A_73 = vector.broadcast %rev3A_72 : i32 to vector<16xi32>
        %rev3A_74 = tpu.iota {dimensions = array<i32: 0>} : vector<16xi32>
        %rev3A_75 = arith.subi %rev3A_73, %rev3A_74 : vector<16xi32>
        %rev3A_76 = tpu.dynamic_gather %sort3A_62[%rev3A_75] in [0] : vector<16xf32>, vector<16xi32> -> vector<16xf32>
        %max3A_77 = arith.maximumf %sort3A_58, %rev3A_76 : vector<16xf32>
        %sort3A_78 = arith.constant dense<true> : vector<16xi1>
        %sort3A_79, %sort3A_80, %sort3A_81 = tpu.sort %max3A_77, %max3A_77 masked %sort3A_78 : (vector<16xf32>, vector<16xf32>, vector<16xi1>) -> (vector<16xi1>, vector<16xf32>, vector<16xf32>)
        %rev3A_82 = arith.constant 15 : i32
        %rev3A_83 = vector.broadcast %rev3A_82 : i32 to vector<16xi32>
        %rev3A_84 = tpu.iota {dimensions = array<i32: 0>} : vector<16xi32>
        %rev3A_85 = arith.subi %rev3A_83, %rev3A_84 : vector<16xi32>
        %rev3A_86 = tpu.dynamic_gather %sort3A_80[%rev3A_85] in [0] : vector<16xf32>, vector<16xi32> -> vector<16xf32>
        %max3A_87 = arith.maximumf %sort3A_70, %rev3A_86 : vector<16xf32>
        %sort3A_88 = arith.constant dense<true> : vector<16xi1>
        %sort3A_89, %sort3A_90, %sort3A_91 = tpu.sort %max3A_87, %max3A_87 masked %sort3A_88 : (vector<16xf32>, vector<16xf32>, vector<16xi1>) -> (vector<16xi1>, vector<16xf32>, vector<16xf32>)
        %reduce_max3A = arith.constant true
        %reduce_max3A_92 = vector.broadcast %reduce_max3A : i1 to vector<16xi1>
        %reduce_max3A_93 = tpu.scan <max>, %sort3A_90 masked %reduce_max3A_92 : vector<16xf32>, vector<16xi1> -> vector<16xf32>
        %reduce_max3A_94 = vector.extract %reduce_max3A_93[15] : f32 from vector<16xf32>
        %mul3A_95 = arith.constant 256 : i32
        %mul3A_96 = arith.muli %scan3A_9, %mul3A_95 : i32
        %add3A_97 = arith.addi %mul3A_96, %scan3A_27 : i32
        %get3A_98 = arith.index_cast %add3A_97 : i32 to index
        %get3A_99 = tpu.vector_load %arg8[%get3A_98] {strides = array<i32>} : memref<1040xf32, #tpu.memory_space<vmem>>, vector<16xf32>,
        %slice3A = vector.extract_strided_slice %get3A_99 {offsets = [0], sizes = [1], strides = [1]} : vector<16xf32> to vector<1xf32>
        %squeeze3A = vector.extract %slice3A[0] : f32 from vector<1xf32>
        %convert_element_type3A = arith.fptosi %squeeze3A : f32 to i32
        %sub3A = arith.constant 16 : i32
        %sub3A_100 = arith.subi %sub3A, %convert_element_type3A : i32
        %eq3A = vector.broadcast %sub3A_100 : i32 to vector<16xi32>
        %eq3A_101 = arith.cmpi eq, %iota3A, %eq3A : vector<16xi32>
        %jit3A = arith.constant -3.000000e+38 : f32
        %broadcast_in_dim3A_102 = vector.broadcast %jit3A : f32 to vector<16xf32>
        %select_n3A = arith.select %eq3A_101, %sort3A_90, %broadcast_in_dim3A_102 : vector<16xi1>, vector<16xf32>
        %reduce_max3A_103 = arith.constant true
        %reduce_max3A_104 = vector.broadcast %reduce_max3A_103 : i1 to vector<16xi1>
        %reduce_max3A_105 = tpu.scan <max>, %select_n3A masked %reduce_max3A_104 : vector<16xf32>, vector<16xi1> -> vector<16xf32>
        %reduce_max3A_106 = vector.extract %reduce_max3A_105[15] : f32 from vector<16xf32>
        %ge3A = vector.broadcast %reduce_max3A_106 : f32 to vector<16xf32>
        %ge3A_107 = arith.cmpf oge, %get3A_36, %ge3A : vector<16xf32>
        %sub3A_108 = vector.broadcast %reduce_max3A_94 : f32 to vector<16xf32>
        %sub3A_109 = arith.subf %get3A_36, %sub3A_108 : vector<16xf32>
        %exp3A = math.exp %sub3A_109 : vector<16xf32>
        %jit3A_110 = arith.constant 0.000000e+00 : f32
        %broadcast_in_dim3A_111 = vector.broadcast %jit3A_110 : f32 to vector<16xf32>
        %select_n3A_112 = arith.select %ge3A_107, %exp3A, %broadcast_in_dim3A_111 : vector<16xi1>, vector<16xf32>
        %ge3A_113 = vector.broadcast %reduce_max3A_106 : f32 to vector<16xf32>
        %ge3A_114 = arith.cmpf oge, %get3A_40, %ge3A_113 : vector<16xf32>
        %sub3A_115 = vector.broadcast %reduce_max3A_94 : f32 to vector<16xf32>
        %sub3A_116 = arith.subf %get3A_40, %sub3A_115 : vector<16xf32>
        %exp3A_117 = math.exp %sub3A_116 : vector<16xf32>
        %jit3A_118 = arith.constant 0.000000e+00 : f32
        %broadcast_in_dim3A_119 = vector.broadcast %jit3A_118 : f32 to vector<16xf32>
        %select_n3A_120 = arith.select %ge3A_114, %exp3A_117, %broadcast_in_dim3A_119 : vector<16xi1>, vector<16xf32>
        %ge3A_121 = vector.broadcast %reduce_max3A_106 : f32 to vector<16xf32>
        %ge3A_122 = arith.cmpf oge, %get3A_44, %ge3A_121 : vector<16xf32>
        %sub3A_123 = vector.broadcast %reduce_max3A_94 : f32 to vector<16xf32>
        %sub3A_124 = arith.subf %get3A_44, %sub3A_123 : vector<16xf32>
        %exp3A_125 = math.exp %sub3A_124 : vector<16xf32>
        %jit3A_126 = arith.constant 0.000000e+00 : f32
        %broadcast_in_dim3A_127 = vector.broadcast %jit3A_126 : f32 to vector<16xf32>
        %select_n3A_128 = arith.select %ge3A_122, %exp3A_125, %broadcast_in_dim3A_127 : vector<16xi1>, vector<16xf32>
        %ge3A_129 = vector.broadcast %reduce_max3A_106 : f32 to vector<16xf32>
        %ge3A_130 = arith.cmpf oge, %get3A_48, %ge3A_129 : vector<16xf32>
        %sub3A_131 = vector.broadcast %reduce_max3A_94 : f32 to vector<16xf32>
        %sub3A_132 = arith.subf %get3A_48, %sub3A_131 : vector<16xf32>
        %exp3A_133 = math.exp %sub3A_132 : vector<16xf32>
        %jit3A_134 = arith.constant 0.000000e+00 : f32
        %broadcast_in_dim3A_135 = vector.broadcast %jit3A_134 : f32 to vector<16xf32>
        %select_n3A_136 = arith.select %ge3A_130, %exp3A_133, %broadcast_in_dim3A_135 : vector<16xi1>, vector<16xf32>
        %add3A_137 = arith.addf %select_n3A_112, %select_n3A_120 : vector<16xf32>
        %add3A_138 = arith.addf %add3A_137, %select_n3A_128 : vector<16xf32>
        %add3A_139 = arith.addf %add3A_138, %select_n3A_136 : vector<16xf32>
        %reduce_sum3A = arith.constant true
        %reduce_sum3A_140 = vector.broadcast %reduce_sum3A : i1 to vector<16xi1>
        %reduce_sum3A_141 = tpu.scan <sum>, %add3A_139 masked %reduce_sum3A_140 : vector<16xf32>, vector<16xi1> -> vector<16xf32>
        %reduce_sum3A_142 = vector.extract %reduce_sum3A_141[15] : f32 from vector<16xf32>
        %add3A_143 = vector.broadcast %reduce_sum3A_142 : f32 to vector<16xf32>
        %add3A_144 = arith.addf %broadcast_in_dim3A_3, %add3A_143 : vector<16xf32>
        %div3A = arith.divf %select_n3A_112, %add3A_144 : vector<16xf32>
        %add3A_145 = arith.constant 0 : i32
        %add3A_146 = arith.addi %mul3A_33, %add3A_145 : i32
        %swap3A = arith.index_cast %add3A_146 : i32 to index
        %swap3A_147 = tpu.vector_load %arg7[%swap3A] {strides = array<i32>} : memref<16384xf32, #tpu.memory_space<vmem>>, vector<16xf32>,
        tpu.vector_store %arg7[%swap3A], %div3A {strides = array<i32>} : memref<16384xf32, #tpu.memory_space<vmem>>, vector<16xf32>,
        %div3A_148 = arith.divf %select_n3A_120, %add3A_144 : vector<16xf32>
        %add3A_149 = arith.constant 16 : i32
        %add3A_150 = arith.addi %mul3A_33, %add3A_149 : i32
        %swap3A_151 = arith.index_cast %add3A_150 : i32 to index
        %swap3A_152 = tpu.vector_load %arg7[%swap3A_151] {strides = array<i32>} : memref<16384xf32, #tpu.memory_space<vmem>>, vector<16xf32>,
        tpu.vector_store %arg7[%swap3A_151], %div3A_148 {strides = array<i32>} : memref<16384xf32, #tpu.memory_space<vmem>>, vector<16xf32>,
        %div3A_153 = arith.divf %select_n3A_128, %add3A_144 : vector<16xf32>
        %add3A_154 = arith.constant 32 : i32
        %add3A_155 = arith.addi %mul3A_33, %add3A_154 : i32
        %swap3A_156 = arith.index_cast %add3A_155 : i32 to index
        %swap3A_157 = tpu.vector_load %arg7[%swap3A_156] {strides = array<i32>} : memref<16384xf32, #tpu.memory_space<vmem>>, vector<16xf32>,
        tpu.vector_store %arg7[%swap3A_156], %div3A_153 {strides = array<i32>} : memref<16384xf32, #tpu.memory_space<vmem>>, vector<16xf32>,
        %div3A_158 = arith.divf %select_n3A_136, %add3A_144 : vector<16xf32>
        %add3A_159 = arith.constant 48 : i32
        %add3A_160 = arith.addi %mul3A_33, %add3A_159 : i32
        %swap3A_161 = arith.index_cast %add3A_160 : i32 to index
        %swap3A_162 = tpu.vector_load %arg7[%swap3A_161] {strides = array<i32>} : memref<16384xf32, #tpu.memory_space<vmem>>, vector<16xf32>,
        tpu.vector_store %arg7[%swap3A_161], %div3A_158 {strides = array<i32>} : memref<16384xf32, #tpu.memory_space<vmem>>, vector<16xf32>,
        %add3A_163 = arith.addf %scan3A_28, %div3A : vector<16xf32>
        %add3A_164 = arith.addf %scan3A_29, %div3A_148 : vector<16xf32>
        %add3A_165 = arith.addf %scan3A_30, %div3A_153 : vector<16xf32>
        %add3A_166 = arith.addf %scan3A_31, %div3A_158 : vector<16xf32>
        scf.yield %add3A_163, %add3A_164, %add3A_165, %add3A_166 : vector<16xf32>, vector<16xf32>, vector<16xf32>, vector<16xf32>
      }
      %scan3A_24 = arith.constant 256 : i32
      %mul3A_25 = arith.constant 64 : i32
      %mul3A_26 = arith.muli %add3A_16, %mul3A_25 : i32
      "tpu.region"() ({
        %run_scoped3A = tpu.sem_alloc : memref<!tpu.dma_semaphore, #tpu.memory_space<semaphore_mem>>
        %dma_start3A = tpu.memref_slice %arg4[%mul3A_26] : memref<2097152xf32, #tpu.memory_space<hbm>> -> memref<16384xf32, #tpu.memory_space<hbm>>
        %dma_start3A_27 = tpu.memref_slice %arg4[%mul3A_26] : memref<2097152xf32, #tpu.memory_space<hbm>> -> memref<16384xf32, #tpu.memory_space<hbm>>
        tpu.enqueue_dma source(%arg7 : memref<16384xf32, #tpu.memory_space<vmem>>) target(%dma_start3A_27 : memref<16384xf32, #tpu.memory_space<hbm>>) target_semaphore(%run_scoped3A : memref<!tpu.dma_semaphore, #tpu.memory_space<semaphore_mem>>)
        %dma_wait3A = tpu.memref_slice %arg4[%mul3A_26] : memref<2097152xf32, #tpu.memory_space<hbm>> -> memref<16384xf32, #tpu.memory_space<hbm>>
        %dma_wait3A_28 = tpu.memref_slice %arg4[%mul3A_26] : memref<2097152xf32, #tpu.memory_space<hbm>> -> memref<16384xf32, #tpu.memory_space<hbm>>
        tpu.wait_dma2 semaphore(%run_scoped3A : memref<!tpu.dma_semaphore, #tpu.memory_space<semaphore_mem>>) src(%arg7 : memref<16384xf32, #tpu.memory_space<vmem>>) dst(%dma_wait3A_28 : memref<16384xf32, #tpu.memory_space<hbm>>)
        tpu.yield
      }) : () -> ()
      scf.yield %scan3A_23#0, %scan3A_23#1, %scan3A_23#2, %scan3A_23#3 : vector<16xf32>, vector<16xf32>, vector<16xf32>, vector<16xf32>
    }
    %scan3A_8 = arith.constant 4 : i32
    "tpu.region"() ({
      %run_scoped3A = memref.alloca() : memref<64xf32, #tpu.memory_space<vmem>>
      %swap3A = arith.constant 0 : index
      %swap3A_9 = tpu.vector_load %run_scoped3A[%swap3A] {strides = array<i32>} : memref<64xf32, #tpu.memory_space<vmem>>, vector<16xf32>,
      tpu.vector_store %run_scoped3A[%swap3A], %scan3A_7#0 {strides = array<i32>} : memref<64xf32, #tpu.memory_space<vmem>>, vector<16xf32>,
      %swap3A_10 = arith.constant 16 : index
      %swap3A_11 = tpu.vector_load %run_scoped3A[%swap3A_10] {strides = array<i32>} : memref<64xf32, #tpu.memory_space<vmem>>, vector<16xf32>,
      tpu.vector_store %run_scoped3A[%swap3A_10], %scan3A_7#1 {strides = array<i32>} : memref<64xf32, #tpu.memory_space<vmem>>, vector<16xf32>,
      %swap3A_12 = arith.constant 32 : index
      %swap3A_13 = tpu.vector_load %run_scoped3A[%swap3A_12] {strides = array<i32>} : memref<64xf32, #tpu.memory_space<vmem>>, vector<16xf32>,
      tpu.vector_store %run_scoped3A[%swap3A_12], %scan3A_7#2 {strides = array<i32>} : memref<64xf32, #tpu.memory_space<vmem>>, vector<16xf32>,
      %swap3A_14 = arith.constant 48 : index
      %swap3A_15 = tpu.vector_load %run_scoped3A[%swap3A_14] {strides = array<i32>} : memref<64xf32, #tpu.memory_space<vmem>>, vector<16xf32>,
      tpu.vector_store %run_scoped3A[%swap3A_14], %scan3A_7#3 {strides = array<i32>} : memref<64xf32, #tpu.memory_space<vmem>>, vector<16xf32>,
      "tpu.region"() ({
        %run_scoped3A_16 = tpu.sem_alloc : memref<!tpu.dma_semaphore, #tpu.memory_space<semaphore_mem>>
        %dma_start3A = arith.constant 0 : i32
        %dma_start3A_17 = tpu.memref_slice %arg5[%add3A, %dma_start3A] : memref<32x64xf32, #tpu.memory_space<hbm>> -> memref<1x64xf32, #tpu.memory_space<hbm>>
        %dma_start3A_18 = tpu.memref_squeeze %dma_start3A_17 : memref<1x64xf32, #tpu.memory_space<hbm>> -> memref<64xf32, #tpu.memory_space<hbm>>
        %dma_start3A_19 = arith.constant 0 : i32
        %dma_start3A_20 = tpu.memref_slice %arg5[%add3A, %dma_start3A_19] : memref<32x64xf32, #tpu.memory_space<hbm>> -> memref<1x64xf32, #tpu.memory_space<hbm>>
        %dma_start3A_21 = tpu.memref_squeeze %dma_start3A_20 : memref<1x64xf32, #tpu.memory_space<hbm>> -> memref<64xf32, #tpu.memory_space<hbm>>
        tpu.enqueue_dma source(%run_scoped3A : memref<64xf32, #tpu.memory_space<vmem>>) target(%dma_start3A_21 : memref<64xf32, #tpu.memory_space<hbm>>) target_semaphore(%run_scoped3A_16 : memref<!tpu.dma_semaphore, #tpu.memory_space<semaphore_mem>>)
        %dma_wait3A = arith.constant 0 : i32
        %dma_wait3A_22 = tpu.memref_slice %arg5[%add3A, %dma_wait3A] : memref<32x64xf32, #tpu.memory_space<hbm>> -> memref<1x64xf32, #tpu.memory_space<hbm>>
        %dma_wait3A_23 = tpu.memref_squeeze %dma_wait3A_22 : memref<1x64xf32, #tpu.memory_space<hbm>> -> memref<64xf32, #tpu.memory_space<hbm>>
        %dma_wait3A_24 = arith.constant 0 : i32
        %dma_wait3A_25 = tpu.memref_slice %arg5[%add3A, %dma_wait3A_24] : memref<32x64xf32, #tpu.memory_space<hbm>> -> memref<1x64xf32, #tpu.memory_space<hbm>>
        %dma_wait3A_26 = tpu.memref_squeeze %dma_wait3A_25 : memref<1x64xf32, #tpu.memory_space<hbm>> -> memref<64xf32, #tpu.memory_space<hbm>>
        tpu.wait_dma2 semaphore(%run_scoped3A_16 : memref<!tpu.dma_semaphore, #tpu.memory_space<semaphore_mem>>) src(%run_scoped3A : memref<64xf32, #tpu.memory_space<vmem>>) dst(%dma_wait3A_26 : memref<64xf32, #tpu.memory_space<hbm>>)
        tpu.yield
      }) : () -> ()
      tpu.yield
    }) : () -> ()
    return
  }
}

module attributes {stable_mosaic.version = 14 : i64} {
  func.func @_logits_block(%arg0: i32, %arg1: memref<512x768xf32, #tpu.memory_space<vmem>>, %arg2: memref<768x64xf32, #tpu.memory_space<vmem>>, %arg3: memref<768x192xf32, #tpu.memory_space<vmem>>, %arg4: memref<1x192xf32, #tpu.memory_space<vmem>>, %arg5: memref<1x192xf32, #tpu.memory_space<vmem>>, %arg6: memref<1x1xf32, #tpu.memory_space<vmem>>, %arg7: memref<512x64xf32, #tpu.memory_space<vmem>>, %arg8: memref<512x1xf32, #tpu.memory_space<vmem>>, %arg9: memref<1x1xf32, #tpu.memory_space<vmem>>, %arg10: memref<1x1xf32, #tpu.memory_space<vmem>>) attributes {dimension_semantics = [#tpu.dimension_semantics<arbitrary>], iteration_bounds = array<i64: 64>, scalar_prefetch = 0 : i64, scratch_operands = 0 : i64, tpu.core_type = #tpu.core_type<tc>, window_params = [{transform_indices = @transform_0, window_bounds = array<i64: 512, 768>}, {pipeline_mode = #tpu.pipeline_mode<synchronous>, transform_indices = @transform_1, window_bounds = array<i64: 768, 64>}, {pipeline_mode = #tpu.pipeline_mode<synchronous>, transform_indices = @transform_2, window_bounds = array<i64: 768, 192>}, {pipeline_mode = #tpu.pipeline_mode<synchronous>, transform_indices = @transform_3, window_bounds = array<i64: 1, 192>}, {pipeline_mode = #tpu.pipeline_mode<synchronous>, transform_indices = @transform_4, window_bounds = array<i64: 1, 192>}, {pipeline_mode = #tpu.pipeline_mode<synchronous>, transform_indices = @transform_5, window_bounds = array<i64: 1, 1>}, {transform_indices = @transform_6, window_bounds = array<i64: 512, 64>}, {transform_indices = @transform_7, window_bounds = array<i64: 512, 1>}, {pipeline_mode = #tpu.pipeline_mode<synchronous>, transform_indices = @transform_8, window_bounds = array<i64: 1, 1>}, {pipeline_mode = #tpu.pipeline_mode<synchronous>, transform_indices = @transform_9, window_bounds = array<i64: 1, 1>}]} {
    %get3A = arith.constant 0 : index
    %get3A_0 = arith.constant 0 : index
    %get3A_1 = vector.load %arg1[%get3A, %get3A_0] : memref<512x768xf32, #tpu.memory_space<vmem>>, vector<512x768xf32>
    %convert_element_type3A = arith.truncf %get3A_1 : vector<512x768xf32> to vector<512x768xbf16>
    %get3A_2 = arith.constant 0 : index
    %get3A_3 = arith.constant 0 : index
    %get3A_4 = vector.load %arg2[%get3A_2, %get3A_3] : memref<768x64xf32, #tpu.memory_space<vmem>>, vector<768x64xf32>
    %convert_element_type3A_5 = arith.truncf %get3A_4 : vector<768x64xf32> to vector<768x64xbf16>
    %get3A_6 = arith.constant 0 : index
    %get3A_7 = arith.constant 0 : index
    %get3A_8 = vector.load %arg3[%get3A_6, %get3A_7] : memref<768x192xf32, #tpu.memory_space<vmem>>, vector<768x192xf32>
    %convert_element_type3A_9 = arith.truncf %get3A_8 : vector<768x192xf32> to vector<768x192xbf16>
    %dot_general3A = arith.constant dense<0.000000e+00> : vector<512x64xf32>
    %dot_general3A_10 = tpu.matmul %convert_element_type3A, %convert_element_type3A_5, %dot_general3A {dimension_numbers = #tpu.dot_dimension_numbers<[1], [0], [0], [1], [0, 0, 1, 1], [], []>, transpose_lhs_hint = false} : vector<512x768xbf16>, vector<768x64xbf16>, vector<512x64xf32> -> vector<512x64xf32>
    %dot_general3A_11 = arith.constant dense<0.000000e+00> : vector<512x192xf32>
    %dot_general3A_12 = tpu.matmul %convert_element_type3A, %convert_element_type3A_9, %dot_general3A_11 {dimension_numbers = #tpu.dot_dimension_numbers<[1], [0], [0], [1], [0, 0, 1, 1], [], []>, transpose_lhs_hint = false} : vector<512x768xbf16>, vector<768x192xbf16>, vector<512x192xf32> -> vector<512x192xf32>
    %get3A_13 = arith.constant 0 : index
    %get3A_14 = arith.constant 0 : index
    %get3A_15 = vector.load %arg4[%get3A_13, %get3A_14] : memref<1x192xf32, #tpu.memory_space<vmem>>, vector<1x192xf32>
    %add3A = vector.broadcast %get3A_15 : vector<1x192xf32> to vector<512x192xf32>
    %add3A_16 = arith.addf %dot_general3A_12, %add3A : vector<512x192xf32>
    %logistic3A = arith.negf %add3A_16 : vector<512x192xf32>
    %logistic3A_17 = math.exp %logistic3A : vector<512x192xf32>
    %logistic3A_18 = arith.constant 1.000000e+00 : f32
    %logistic3A_19 = vector.broadcast %logistic3A_18 : f32 to vector<512x192xf32>
    %logistic3A_20 = arith.addf %logistic3A_19, %logistic3A_17 : vector<512x192xf32>
    %logistic3A_21 = arith.divf %logistic3A_19, %logistic3A_20 : vector<512x192xf32>
    %mul3A = arith.mulf %add3A_16, %logistic3A_21 : vector<512x192xf32>
    %convert_element_type3A_22 = arith.truncf %mul3A : vector<512x192xf32> to vector<512x192xbf16>
    %convert_element_type3A_23 = arith.extf %convert_element_type3A_22 : vector<512x192xbf16> to vector<512x192xf32>
    %get3A_24 = arith.constant 0 : index
    %get3A_25 = arith.constant 0 : index
    %get3A_26 = vector.load %arg5[%get3A_24, %get3A_25] : memref<1x192xf32, #tpu.memory_space<vmem>>, vector<1x192xf32>
    %convert_element_type3A_27 = arith.truncf %get3A_26 : vector<1x192xf32> to vector<1x192xbf16>
    %convert_element_type3A_28 = arith.extf %convert_element_type3A_27 : vector<1x192xbf16> to vector<1x192xf32>
    %mul3A_29 = vector.broadcast %convert_element_type3A_28 : vector<1x192xf32> to vector<512x192xf32>
    %mul3A_30 = arith.mulf %convert_element_type3A_23, %mul3A_29 : vector<512x192xf32>
    %reduce_sum3A = arith.constant dense<0.000000e+00> : vector<512xf32>
    %reduce_sum3A_31 = vector.multi_reduction <add>, %mul3A_30, %reduce_sum3A [1] : vector<512x192xf32> to vector<512xf32>
    %broadcast_in_dim3A = vector.shape_cast %reduce_sum3A_31 : vector<512xf32> to vector<512x1xf32>
    %get3A_32 = arith.constant 0 : index
    %get3A_33 = arith.constant 0 : index
    %get3A_34 = vector.load %arg6[%get3A_32, %get3A_33] : memref<1x1xf32, #tpu.memory_space<vmem>>, vector<1x1xf32>
    %add3A_35 = vector.broadcast %get3A_34 : vector<1x1xf32> to vector<512x1xf32>
    %add3A_36 = arith.addf %broadcast_in_dim3A, %add3A_35 : vector<512x1xf32>
    %logistic3A_37 = arith.negf %add3A_36 : vector<512x1xf32>
    %logistic3A_38 = math.exp %logistic3A_37 : vector<512x1xf32>
    %logistic3A_39 = arith.constant 1.000000e+00 : f32
    %logistic3A_40 = vector.broadcast %logistic3A_39 : f32 to vector<512x1xf32>
    %logistic3A_41 = arith.addf %logistic3A_40, %logistic3A_38 : vector<512x1xf32>
    %logistic3A_42 = arith.divf %logistic3A_40, %logistic3A_41 : vector<512x1xf32>
    %mul3A_43 = arith.constant 8.000000e+00 : f32
    %mul3A_44 = vector.broadcast %mul3A_43 : f32 to vector<512x1xf32>
    %mul3A_45 = arith.mulf %logistic3A_42, %mul3A_44 : vector<512x1xf32>
    %add3A_46 = arith.constant 4.000000e+00 : f32
    %add3A_47 = vector.broadcast %add3A_46 : f32 to vector<512x1xf32>
    %add3A_48 = arith.addf %add3A_47, %mul3A_45 : vector<512x1xf32>
    %round3A = math.roundeven %add3A_48 : vector<512x1xf32>
    %jit3A = arith.constant 4.000000e+00 : f32
    %jit3A_49 = arith.constant 1.200000e+01 : f32
    %max3A = vector.broadcast %jit3A : f32 to vector<512x1xf32>
    %max3A_50 = arith.maximumf %max3A, %round3A : vector<512x1xf32>
    %min3A = vector.broadcast %jit3A_49 : f32 to vector<512x1xf32>
    %min3A_51 = arith.minimumf %min3A, %max3A_50 : vector<512x1xf32>
    %swap3A = arith.constant 0 : index
    %swap3A_52 = arith.constant 0 : index
    %swap3A_53 = vector.load %arg7[%swap3A, %swap3A_52] : memref<512x64xf32, #tpu.memory_space<vmem>>, vector<512x64xf32>
    tpu.vector_store %arg7[%swap3A, %swap3A_52], %dot_general3A_10 {strides = array<i32>} : memref<512x64xf32, #tpu.memory_space<vmem>>, vector<512x64xf32>,
    %swap3A_54 = arith.constant 0 : index
    %swap3A_55 = arith.constant 0 : index
    %swap3A_56 = vector.load %arg8[%swap3A_54, %swap3A_55] : memref<512x1xf32, #tpu.memory_space<vmem>>, vector<512x1xf32>
    tpu.vector_store %arg8[%swap3A_54, %swap3A_55], %min3A_51 {strides = array<i32>} : memref<512x1xf32, #tpu.memory_space<vmem>>, vector<512x1xf32>,
    %add3A_57 = arith.constant 9.99999993E-9 : f32
    %add3A_58 = vector.broadcast %add3A_57 : f32 to vector<512x1xf32>
    %add3A_59 = arith.addf %logistic3A_42, %add3A_58 : vector<512x1xf32>
    %log3A = math.log %add3A_59 : vector<512x1xf32>
    %mul3A_60 = arith.mulf %logistic3A_42, %log3A : vector<512x1xf32>
    %sub3A = arith.constant 1.000000e+00 : f32
    %sub3A_61 = vector.broadcast %sub3A : f32 to vector<512x1xf32>
    %sub3A_62 = arith.subf %sub3A_61, %logistic3A_42 : vector<512x1xf32>
    %sub3A_63 = arith.constant 1.000000e+00 : f32
    %sub3A_64 = vector.broadcast %sub3A_63 : f32 to vector<512x1xf32>
    %sub3A_65 = arith.subf %sub3A_64, %logistic3A_42 : vector<512x1xf32>
    %add3A_66 = arith.constant 9.99999993E-9 : f32
    %add3A_67 = vector.broadcast %add3A_66 : f32 to vector<512x1xf32>
    %add3A_68 = arith.addf %sub3A_65, %add3A_67 : vector<512x1xf32>
    %log3A_69 = math.log %add3A_68 : vector<512x1xf32>
    %mul3A_70 = arith.mulf %sub3A_62, %log3A_69 : vector<512x1xf32>
    %add3A_71 = arith.addf %mul3A_60, %mul3A_70 : vector<512x1xf32>
    %reduce_sum3A_72 = vector.shape_cast %add3A_48 : vector<512x1xf32> to vector<1x512x1xf32>
    %reduce_sum3A_73 = arith.constant dense<0.000000e+00> : vector<1xf32>
    %reduce_sum3A_74 = vector.multi_reduction <add>, %reduce_sum3A_72, %reduce_sum3A_73 [1, 2] : vector<1x512x1xf32> to vector<1xf32>
    %reduce_sum3A_75 = vector.shape_cast %reduce_sum3A_74 : vector<1xf32> to vector<1x1x1xf32>
    %reduce_sum3A_76 = vector.extract %reduce_sum3A_75[0, 0, 0] : f32 from vector<1x1x1xf32>
    %reshape3A = vector.broadcast %reduce_sum3A_76 : f32 to vector<1x1xf32>
    %reduce_sum3A_77 = vector.shape_cast %add3A_71 : vector<512x1xf32> to vector<1x512x1xf32>
    %reduce_sum3A_78 = arith.constant dense<0.000000e+00> : vector<1xf32>
    %reduce_sum3A_79 = vector.multi_reduction <add>, %reduce_sum3A_77, %reduce_sum3A_78 [1, 2] : vector<1x512x1xf32> to vector<1xf32>
    %reduce_sum3A_80 = vector.shape_cast %reduce_sum3A_79 : vector<1xf32> to vector<1x1x1xf32>
    %reduce_sum3A_81 = vector.extract %reduce_sum3A_80[0, 0, 0] : f32 from vector<1x1x1xf32>
    %reshape3A_82 = vector.broadcast %reduce_sum3A_81 : f32 to vector<1x1xf32>
    %eq3A = arith.constant 0 : i32
    %eq3A_83 = arith.cmpi eq, %arg0, %eq3A : i32
    %convert_element_type3A_84 = arith.extui %eq3A_83 : i1 to i32
    %cond3A = arith.constant 0 : i32
    %cond3A_85 = arith.cmpi ne, %convert_element_type3A_84, %cond3A : i32
    scf.if %cond3A_85 {
      %swap3A_90 = arith.constant 0 : index
      %swap3A_91 = arith.constant 0 : index
      %swap3A_92 = vector.load %arg9[%swap3A_90, %swap3A_91] : memref<1x1xf32, #tpu.memory_space<vmem>>, vector<1x1xf32>
      tpu.vector_store %arg9[%swap3A_90, %swap3A_91], %reshape3A {strides = array<i32>} : memref<1x1xf32, #tpu.memory_space<vmem>>, vector<1x1xf32>,
      %swap3A_93 = arith.constant 0 : index
      %swap3A_94 = arith.constant 0 : index
      %swap3A_95 = vector.load %arg10[%swap3A_93, %swap3A_94] : memref<1x1xf32, #tpu.memory_space<vmem>>, vector<1x1xf32>
      tpu.vector_store %arg10[%swap3A_93, %swap3A_94], %reshape3A_82 {strides = array<i32>} : memref<1x1xf32, #tpu.memory_space<vmem>>, vector<1x1xf32>,
    } else {
    }
    %ne3A = arith.constant 0 : i32
    %ne3A_86 = arith.cmpi ne, %arg0, %ne3A : i32
    %convert_element_type3A_87 = arith.extui %ne3A_86 : i1 to i32
    %cond3A_88 = arith.constant 0 : i32
    %cond3A_89 = arith.cmpi ne, %convert_element_type3A_87, %cond3A_88 : i32
    scf.if %cond3A_89 {
      %get3A_90 = arith.constant 0 : index
      %get3A_91 = arith.constant 0 : index
      %get3A_92 = vector.load %arg9[%get3A_90, %get3A_91] : memref<1x1xf32, #tpu.memory_space<vmem>>, vector<1x1xf32>
      %add3A_93 = arith.addf %get3A_92, %reshape3A : vector<1x1xf32>
      %swap3A_94 = arith.constant 0 : index
      %swap3A_95 = arith.constant 0 : index
      %swap3A_96 = vector.load %arg9[%swap3A_94, %swap3A_95] : memref<1x1xf32, #tpu.memory_space<vmem>>, vector<1x1xf32>
      tpu.vector_store %arg9[%swap3A_94, %swap3A_95], %add3A_93 {strides = array<i32>} : memref<1x1xf32, #tpu.memory_space<vmem>>, vector<1x1xf32>,
      %get3A_97 = arith.constant 0 : index
      %get3A_98 = arith.constant 0 : index
      %get3A_99 = vector.load %arg10[%get3A_97, %get3A_98] : memref<1x1xf32, #tpu.memory_space<vmem>>, vector<1x1xf32>
      %add3A_100 = arith.addf %get3A_99, %reshape3A_82 : vector<1x1xf32>
      %swap3A_101 = arith.constant 0 : index
      %swap3A_102 = arith.constant 0 : index
      %swap3A_103 = vector.load %arg10[%swap3A_101, %swap3A_102] : memref<1x1xf32, #tpu.memory_space<vmem>>, vector<1x1xf32>
      tpu.vector_store %arg10[%swap3A_101, %swap3A_102], %add3A_100 {strides = array<i32>} : memref<1x1xf32, #tpu.memory_space<vmem>>, vector<1x1xf32>,
    } else {
    }
    return
  }
  func.func @transform_0(%arg0: i32) -> (i32, i32) {
    %c0_i32 = arith.constant 0 : i32
    %c0_i32_0 = arith.constant 0 : i32
    return %arg0, %c0_i32 : i32, i32
  }
  func.func @transform_1(%arg0: i32) -> (i32, i32) {
    %c0_i32 = arith.constant 0 : i32
    %c0_i32_0 = arith.constant 0 : i32
    %c0_i32_1 = arith.constant 0 : i32
    return %c0_i32, %c0_i32_0 : i32, i32
  }
  func.func @transform_2(%arg0: i32) -> (i32, i32) {
    %c0_i32 = arith.constant 0 : i32
    %c0_i32_0 = arith.constant 0 : i32
    %c0_i32_1 = arith.constant 0 : i32
    return %c0_i32, %c0_i32_0 : i32, i32
  }
  func.func @transform_3(%arg0: i32) -> (i32, i32) {
    %c0_i32 = arith.constant 0 : i32
    %c0_i32_0 = arith.constant 0 : i32
    %c0_i32_1 = arith.constant 0 : i32
    return %c0_i32, %c0_i32_0 : i32, i32
  }
  func.func @transform_4(%arg0: i32) -> (i32, i32) {
    %c0_i32 = arith.constant 0 : i32
    %c0_i32_0 = arith.constant 0 : i32
    %c0_i32_1 = arith.constant 0 : i32
    return %c0_i32, %c0_i32_0 : i32, i32
  }
  func.func @transform_5(%arg0: i32) -> (i32, i32) {
    %c0_i32 = arith.constant 0 : i32
    %c0_i32_0 = arith.constant 0 : i32
    %c0_i32_1 = arith.constant 0 : i32
    return %c0_i32, %c0_i32_0 : i32, i32
  }
  func.func @transform_6(%arg0: i32) -> (i32, i32) {
    %c0_i32 = arith.constant 0 : i32
    %c0_i32_0 = arith.constant 0 : i32
    return %arg0, %c0_i32 : i32, i32
  }
  func.func @transform_7(%arg0: i32) -> (i32, i32) {
    %c0_i32 = arith.constant 0 : i32
    %c0_i32_0 = arith.constant 0 : i32
    return %arg0, %c0_i32 : i32, i32
  }
  func.func @transform_8(%arg0: i32) -> (i32, i32) {
    %c0_i32 = arith.constant 0 : i32
    %c0_i32_0 = arith.constant 0 : i32
    %c0_i32_1 = arith.constant 0 : i32
    return %c0_i32, %c0_i32_0 : i32, i32
  }
  func.func @transform_9(%arg0: i32) -> (i32, i32) {
    %c0_i32 = arith.constant 0 : i32
    %c0_i32_0 = arith.constant 0 : i32
    %c0_i32_1 = arith.constant 0 : i32
    return %c0_i32, %c0_i32_0 : i32, i32
  }
}

</mosaic_0001>

<sc_bundles>
// kernel: kernel.4.cloned.1.call-start
scs
__scs_entry_jumppad:
0x0: {  	(pc) =	sbr.rel $0x88, $3  }
0x1: {  	(tag) =	ssettag $0x0;
	lr =	simm.s32 $0x1  }
0x2: {  	[smem:$0x3F9B] =	sst lr;
	_ =	strace $0xD0000000  }
0x3: {  	_ = 	snop  }
0x4: {  	_ = 	snop  }
0x5: {  	_ = 	snop  }
0x6: {  	_ = 	snop  }
0x7: {  	_ = 	snop  }
__scs_overlays_trampoline_lowered:
0x8: {  	[smem:$0x3FAA] =	sst s0  }
0x9: {  	[smem:$0x3FAB] =	sst s1  }
0xa: {  	[smem:$0x3FAC] =	sst s2  }
0xb: {  	[smem:$0x3FAD] =	sst s3  }
0xc: {  	[smem:$0x3FAE] =	sst s4  }
0xd: {  	[smem:$0x3FAF] =	sst s5  }
0xe: {  	[smem:$0x3FB0] =	sst s6  }
0xf: {  	[smem:$0x3FB1] =	sst s7  }
0x10: {  	[smem:$0x3FB2] =	sst s8  }
0x11: {  	[smem:$0x3FB3] =	sst s9;
	s0 =	simm.s32 @!p0 $0x0  }
0x12: {  	s1 =	sld [smem:$0x3F99];
	s0 =	simm.s32 @p0 $0x1  }
0x13: {  	[smem:$0x3FB4] =	sst s0;
	s0 =	simm.s32 @!p1 $0x0  }
0x14: {  	s2 =	sld [smem:$0x3F98];
	s0 =	simm.s32 @p1 $0x1  }
0x15: {  	[smem:$0x3FB5] =	sst s0;
	s0 =	simm.s32 @!p2 $0x0  }
0x16: {  	s3 =	sld [smem:$0x3FDB];
	s0 =	simm.s32 @p2 $0x1  }
0x17: {  	s4 =	simm.s32 $0x1BF5;
	[smem:$0x3FB7] =	sst s0  }
0x18: {  	s0 =	sld [smem:$0x3F9A];
	_ =	swait.ge [sflag:s4], $0x0  }
0x19: {  	s7 =	sld [smem:$0x3F9B]  }
0x1a: {  	s8 =	sadd.s32 $0xFFFFE003, lr  }
0x1b: {  	s9 =	sadd.s32 $0xFFFFFEF7, lr;
	s5 =	simm.s32 $0xFFFFFFFF;
	p2 =	slt.u32 s8, $0xFFFFF086  }
0x1c: {  	p1 =	slt.u32 s9, $0xF7A;
	s5 =	simm.s32 @!p2 $0x0  }
0x1d: {  	s5 =	simm.s32 @p1 $0x1;
	p0 =	seq.s32 s7, s2  }
0x1e: {  	s7 =	smul.u32 @!p0 $0xF7A, s2;
	p2 =	seq.s32 @!p0 s5, $0x0  }
0x1f: {  	s9 =	smul.u32 $0xF7A, s1;
	s8 =	simm.s32 @!p0 $0x1BF5;
	p2 =	por !p2, p0  }
0x20: {  	[sflag:s8] =	ssyncset.s32 @!p0 $0xFFFFF086;
	s6 =	sadd.s32 @!p0 s3, s7;
	s7 =	simm.s32 @!p0 $0x108  }
0x21: {  	s3 =	sadd.s32 s3, s9;
	s6 =	sadd.s32 @!p0 $0x88, s6;
	s7 =	simm.s32 @p2 $0x1082  }
0x22: {  	[simem:s7], [sflag:s8] =	dma.local @!p0 [hbm:s6], $0xF7A  }
0x23: {  	s9 =	sor.u32 $0xD0000000, s2;
	s6 =	simm.s32 $0x108;
	_ =	swait.ge @!p0 [sflag:s8], $0x0  }
0x24: {  	s3 =	sadd.s32 $0x88, s3;
	s6 =	simm.s32 @!p1 $0x1082;
	[sflag:s4] =	ssyncset.s32 $0xFFFFF086  }
0x25: {  	[simem:s6], [sflag:s4] =	dma.local [hbm:s3], $0xF7A  }
0x26: {  	[smem:$0x3F9B] =	sst s1;
	(tag) =	ssettag s2;
	_ =	strace s9  }
0x27: {  	s1 =	sld [smem:$0x3FAB]  }
0x28: {  	s2 =	sld [smem:$0x3FAC]  }
0x29: {  	s4 =	sld [smem:$0x3FAE]  }
0x2a: {  	p0 =	seq.s32 s5, $0x0;
	s5 =	sld [smem:$0x3FAF]  }
0x2b: {  	s6 =	sld [smem:$0x3FB0]  }
0x2c: {  	s7 =	sld [smem:$0x3FB1]  }
0x2d: {  	s3 =	simm.s32 $0x108;
	s8 =	sld [smem:$0x3FB2]  }
0x2e: {  	s3 =	simm.s32 @!p0 $0x1082;
	s9 =	sld [smem:$0x3FB3]  }
0x2f: {  	lr =	sadd.s32 s0, s3;
	s0 =	sld [smem:$0x3FAA]  }
0x30: {  	s3 =	sld [smem:$0x3FAD]  }
0x31: {  	[smem:$0x3FB6] =	sst s10  }
0x32: {  	s10 =	sld [smem:$0x3FB4];
	_ =	sdelay $0x3  }
0x33: {  	p0 =	seq.s32 s10, $0x1;
	s10 =	sld [smem:$0x3FB6];
	_ =	sdelay $0x3  }
0x34: {  	[smem:$0x3FB6] =	sst s10  }
0x35: {  	s10 =	sld [smem:$0x3FB5];
	_ =	sdelay $0x3  }
0x36: {  	p1 =	seq.s32 s10, $0x1;
	s10 =	sld [smem:$0x3FB6];
	_ =	sdelay $0x3  }
0x37: {  	[smem:$0x3FB6] =	sst s10  }
0x38: {  	s10 =	sld [smem:$0x3FB7]  }
0x39: {  	_ = 	snop;
	(pc) =	sbr.ind lr, $3  }
0x3a: {  	_ = 	snop  }
0x3b: {  	_ = 	snop  }
0x3c: {  	p2 =	seq.s32 s10, $0x1;
	s10 =	sld [smem:$0x3FB6]  }
0x3d: {  	_ =	shalt  }
0x3e: {  	_ =	shalt  }
0x3f: {  	_ =	shalt  }
0x40: {  	_ =	shalt  }
0x41: {  	_ =	shalt  }
0x42: {  	_ =	shalt  }
0x43: {  	_ =	shalt  }
0x44: {  	_ =	shalt  }
0x45: {  	_ =	shalt  }
0x46: {  	_ =	shalt  }
0x47: {  	_ =	shalt  }
0x48: {  	_ =	shalt  }
0x49: {  	_ =	shalt  }
0x4a: {  	_ =	shalt  }
0x4b: {  	_ =	shalt  }
0x4c: {  	_ =	shalt  }
0x4d: {  	_ =	shalt  }
0x4e: {  	_ =	shalt  }
0x4f: {  	_ =	shalt  }
0x50: {  	_ =	shalt  }
0x51: {  	_ =	shalt  }
0x52: {  	_ =	shalt  }
0x53: {  	_ =	shalt  }
0x54: {  	_ =	shalt  }
0x55: {  	_ =	shalt  }
0x56: {  	_ =	shalt  }
0x57: {  	_ =	shalt  }
0x58: {  	_ =	shalt  }
0x59: {  	_ =	shalt  }
0x5a: {  	_ =	shalt  }
0x5b: {  	_ =	shalt  }
0x5c: {  	_ =	shalt  }
0x5d: {  	_ =	shalt  }
0x5e: {  	_ =	shalt  }
0x5f: {  	_ =	shalt  }
0x60: {  	_ =	shalt  }
0x61: {  	_ =	shalt  }
0x62: {  	_ =	shalt  }
0x63: {  	_ =	shalt  }
0x64: {  	_ =	shalt  }
0x65: {  	_ =	shalt  }
0x66: {  	_ =	shalt  }
0x67: {  	_ =	shalt  }
0x68: {  	_ =	shalt  }
0x69: {  	_ =	shalt  }
0x6a: {  	_ =	shalt  }
0x6b: {  	_ =	shalt  }
0x6c: {  	_ =	shalt  }
0x6d: {  	_ =	shalt  }
0x6e: {  	_ =	shalt  }
0x6f: {  	_ =	shalt  }
0x70: {  	_ =	shalt  }
0x71: {  	_ =	shalt  }
0x72: {  	_ =	shalt  }
0x73: {  	_ =	shalt  }
0x74: {  	_ =	shalt  }
0x75: {  	_ =	shalt  }
0x76: {  	_ =	shalt  }
0x77: {  	_ =	shalt  }
0x78: {  	_ =	shalt  }
0x79: {  	_ =	shalt  }
0x7a: {  	_ =	shalt  }
0x7b: {  	_ =	shalt  }
0x7c: {  	_ =	shalt  }
0x7d: {  	_ =	shalt  }
0x7e: {  	_ =	shalt  }
0x7f: {  	_ =	shalt  }
0x80: {  	_ =	shalt  }
0x81: {  	_ =	shalt  }
0x82: {  	_ =	shalt  }
0x83: {  	_ =	shalt  }
0x84: {  	_ =	shalt  }
0x85: {  	_ =	shalt  }
0x86: {  	_ =	shalt  }
0x87: {  	_ =	shalt  }
.Lfunc_end0:
.L_simem_size_0:
called_computation_lowered:
.L_overlay_start_0:
0x88: {  	s2 =	sld [smem:$0x3FD9]  }
0x89: {  	s3 =	sld [smem:$0x3FFE];
	_ =	sdelay $0x1  }
0x8a: {  	s1 =	srdreg.scid  }
0x8b: {  	s0 =	sand.u32 $0x1, s1  }
0x8c: {  	s14 =	sshll.u32 s0, $0xA;
	s2 =	sadd.s32 s3, s2  }
0x8d: {  	s2 =	sadd.s32 s2, s14  }
0x8e: {  	[smem:$0x3FC2] =	sst s2  }
0x8f: {  	_ = 	snop  }
0x90: {  	s2 =	sld [smem:$0x3FD0];
	_ =	sdelay $0x2  }
0x91: {  	s15 =	simm.s32 $0xA;
	s4 =	simm.s32 $0x10  }
0x92: {  	[smem:s4], [sflag:s15] =	dma.local [hbm:s2], $0x1  }
0x93: {  	_ =	swait.eq [sflag:s15], $0x1  }
0x94: {  	[sflag:s15] =	ssyncset.done $0x0  }
0x95: {  	[sflag:s15] =	ssyncadd.s32 $0xFFFFFFFF  }
0x96: {  	s16 =	sld [smem:$0x10];
	(tm) =	ssettm $0x1  }
0x97: {  	s17 =	sld [smem:$0x3FFB];
	_ =	sdelay $0x3  }
0x98: {  	_ =	strace s17  }
0x99: {  	s3 =	sld [smem:$0x3FFC];
	_ =	sdelay $0x3  }
0x9a: {  	_ =	strace s3  }
0x9b: {  	s3 =	sld [smem:$0x3FFD];
	_ =	sdelay $0x3  }
0x9c: {  	_ =	strace s3  }
0x9d: {  	_ =	strace $0x8FFFFFFF  }
0x9e: {  	s18 =	sld [smem:$0x3FDB];
	_ =	sdelay $0x1  }
0x9f: {  	s19 =	simm.s32 $_scs_section_size  }
0xa0: {  	s5 =	simm.s32 $_size__tile_overlayer_lowered;
	s6 =	simm.s32 $_tile_overlayer_lowered  }
0xa1: {  	s22 =	simm.s32 $0x1BFF;
	s21 =	sshll.u32 s6, $0x1;
	s3 =	sadd.s32 s19, s18  }
0xa2: {  	s7 =	simm.s32 $0x0;
	s20 =	sshll.u32 s5, $0x1;
	s5 =	sadd.s32 s21, s3  }
0xa3: {  	[timem:s7], [sflag:s22] =	dma.local [hbm:s5], s20  }
0xa4: {  	_ =	swait.ge [sflag:s22], s20  }
0xa5: {  	s4 =	ssub.s32 $0x0, s20;
	[sflag:s22] =	ssyncset.done $0x0  }
0xa6: {  	[sflag:s22] =	ssyncadd.s32 s4;
	_ =	sdelay $0x1  }
0xa7: {  	s23 =	simm.s32 $0x1B8B  }
0xa8: {  	_ =	swait.ge [sflag:s23], $0x1  }
0xa9: {  	[sflag:s23] =	ssyncset.done $0x0  }
0xaa: {  	s25 =	simm.s32 $0x1B8E;
	s24 =	sld [smem:$0x3FFE];
	[sflag:s23] =	ssyncadd.s32 $0xFFFFFFFF  }
0xab: {  	s26 =	simm.s32 $execute0_lowered;
	[smem:$0x3FD2] =	sst s25  }
0xac: {  	s5 =	sshll.u32 s26, $0x1;
	_ =	strace $0x80000046;
	[dreg:$0x1] =	wrdreg $0xFFFFFFFF  }
0xad: {  	s28 =	simm.s32 $_size_execute0_lowered;
	s3 =	sadd.s32 s3, s5;
	[dreg:$0x0] =	wrdreg $0x0  }
0xae: {  	s5 =	sshll.u32 s28, $0x1;
	[dreg:$0x2] =	wrdreg s3  }
0xaf: {  	[dreg:$0x3] =	wrdreg s5  }
0xb0: {  	[dreg:$0x4] =	wrdreg $0xC0  }
0xb1: {  	_ =	task [dreg:s7], $0x5FFFF  }
0xb2: {  	[dreg:$0x1] =	wrdreg $0xFFFFFFFF  }
0xb3: {  	[dreg:$0x0] =	wrdreg $0x60  }
0xb4: {  	[dreg:$0x2] =	wrdreg s16  }
0xb5: {  	[dreg:$0x3] =	wrdreg s24  }
0xb6: {  	[dreg:$0x4] =	wrdreg $0x9  }
0xb7: {  	_ =	task.clear_ibuf [dreg:s7], $0x5FFFF;
	_ =	strace $0x90000046  }
0xb8: {  	s29 =	simm.s32 $0x9;
	_ =	strace $0x80000048  }
0xb9: {  	_ =	swait.ge [sflag:s29], $0x1  }
0xba: {  	[sflag:s29] =	ssyncadd.s32 $0xFFFFFFFF  }
0xbb: {  	_ =	strace $0x90000048  }
0xbc: {  	_ =	sfence  }
0xbd: {  	s30 =	sld [smem:$0x0];
	_ =	sdelay $0x2  }
0xbe: {  	s31 =	sshll.u32 s1, $0xD;
	s1 =	sshrl.u32 s1, $0x2  }
0xbf: {  	s3 =	sand.u32 $0x4000, s31;
	s1 =	sadd.s32 s1, s30  }
0xc0: {  	s0 =	sor.u32 s3, s0;
	s1 =	sshll.u32 s1, $0x11  }
0xc1: {  	s0 =	sor.u32 s1, s0  }
0xc2: {  	s0 =	sadd.s32 $0x8F2B, s0  }
0xc3: {  	[sflag:s0] =	ssyncadd.remote.s32 $0x1  }
0xc4: {  	_ =	sfence.sel $0xFFFF  }
0xc5: {  	[dreg:$0x0] =	wrdreg $0xFFFFFFFF;
	(pc) =	sbr.abs _section_cstart, $3  }
0xc6: {  	[dreg:$0x1] =	wrdreg $0xFFFFFFFF  }
0xc7: {  	_ =	task.clear_ibuf [dreg:s7], $0x2FFFF;
	_ =	strace $0x9FFFFFFF  }
0xc8: {  	(tm) =	ssettm $0x7FFFFFFF  }
0xc9: {  	_ =	shalt  }
tec
execute0_lowered:
.L_overlay_start_1:
0x0: {  	(tag) =	ssettag $0x1  }
0x1: {  	s2 =	rddreg [dreg:$0x0]  }
0x2: {  	s7 =	rddreg [dreg:$0x1]  }
0x3: {  	s0 =	rddreg [dreg:$0x2]  }
0x4: {  	s4 =	srdreg.scid;
	s1 =	stileid.u32  }
0x5: {  	s3 =	simm.s32 $0x0;
	s4 =	sand.u32 $0x1, s4;
	s5 =	sshll.u32 s1, $0x1  }
0x6: {  	s11 =	simm.s32 $0x8480;
	s12 =	simm.s32 $0x0;
	s8 =	sor.u32 s4, s5  }
0x7: {  	[smem:$0x7FF] =	sst s3;
	s30 =	ssub.s32 $0x2, s4;
	s31 =	sshll.u32 s8, $0x7  }
0x8: {  	v0 =	vlaneseq.u32;
	_ =	strace $0x80000047;
	s6 =	sshrl.u32 s30, $0x1;
	s9 =	sadd.s32 s31, s7  }
0x9: {  	v1 =	vmul.u32 $0xFFFFFFFF, v0;
	s10 =	ssub.s32 s30, s6;
	s6 =	sshll.u32 s8, $0xD;
	s8 =	sshll.u32 s8, $0x4  }
0xa: {  	s4 =	sadd.s32 $0x200, s7;
	s5 =	sadd.s32 $0x80400, s9;
	s7 =	sadd.s32 s7, s8  }
0xb: {  	v1 =	vadd.s32 $0xF, v1;
	s8 =	smax.u32 s10, $0x1;
	s9 =	simm.s32 $0x1;
	s10 =	simm.s32 $0x4000  }
.LBB2_1:
0xc: {  	s13 =	simm.s32 $0x8000  }
0xd: {  	[tilespmem:s13], [sflag:$0x1] =	stream.linear.gather [hbm4b:s5+s3], $0x400, $0x38;
	[tilespmem:$0x8500] =	vst v63  }
0xe: {  	_ =	swait.ge [sflag:s9], $0x400  }
0xf: {  	v2 =	vimm.f32 $0.0e+00;
	[sflag:s9] =	ssyncset.done $0x0  }
0x10: {  	v3 =	vimm.f32 $0.0e+00;
	v4 =	vimm.f32 $0.0e+00;
	v5 =	vimm.f32 $0.0e+00;
	s14 =	simm.s32 $0x0;
	[sflag:s9] =	ssyncadd.s32 $0xFFFFFC00  }
.LBB2_2:
0x11: {  	s15 =	sshll.u32 s14, $0xB  }
0x12: {  	s15 =	sadd.s32 s6, s15  }
0x13: {  	s17 =	simm.s32 $0x0;
	s16 =	sadd.s32 s2, s15  }
0x14: {  	[tilespmem:s17], [sflag:$0x1] =	stream.linear.gather [hbm4b:s16+s17], $0x4000, $0x38;
	[tilespmem:$0x8500] =	vst v63  }
0x15: {  	_ =	swait.ge [sflag:s9], $0x4000  }
0x16: {  	[sflag:s9] =	ssyncset.done $0x0  }
0x17: {  	s16 =	simm.s32 $0x0;
	[sflag:s9] =	ssyncadd.s32 $0xFFFFC000  }
0x18: {  	v6 =	vld [tilespmem:s16+$0x30];
	_ =	sdelay $0x1  }
0x19: {  	v7 =	vld [tilespmem:s16+$0x20];
	_ =	sdelay $0x1  }
0x1a: {  	v9 =	vld [tilespmem:s16+$0x10]  }
0x1b: {  	(xrf1) =	vsort.ascd.msk.f32 $0xffff, v6, v6  }
0x1c: {  	v8 =	vld [tilespmem:s16+$0x0]  }
0x1d: {  	(xrf1) =	vsort.ascd.msk.f32 $0xffff, v7, v7;
	_ =	sdelay $0x1  }
0x1e: {  	(xrf1) =	vsort.ascd.msk.f32 $0xffff, v9, v9;
	_ =	sdelay $0x1  }
0x1f: {  	(xrf1) =	vsort.ascd.msk.f32 $0xffff, v8, v8;
	_ =	sdelay $0x7  }
0x20: {  	v10, _, _ =	vpop (xrf1)  }
0x21: {  	v10 =	vperm.xlane v10, v1  }
0x22: {  	v11, _, _ =	vpop (xrf1)  }
0x23: {  	v10 =	vmax.f32 v11, v10  }
0x24: {  	v12, _, _ =	vpop (xrf1)  }
0x25: {  	v11 =	vperm.xlane v12, v1  }
0x26: {  	(xrf1) =	vsort.ascd.msk.f32 $0xffff, v10, v10;
	v10, _, _ =	vpop (xrf1)  }
0x27: {  	v10 =	vmax.f32 v10, v11  }
0x28: {  	(xrf1) =	vsort.ascd.msk.f32 $0xffff, v10, v10;
	_ =	sdelay $0xb  }
0x29: {  	v10, _, _ =	vpop (xrf1)  }
0x2a: {  	v10 =	vperm.xlane v10, v1  }
0x2b: {  	v11, _, _ =	vpop (xrf1)  }
0x2c: {  	v10 =	vmax.f32 v11, v10  }
0x2d: {  	(xrf1) =	vsort.ascd.msk.f32 $0xffff, v10, v10;
	_ =	sdelay $0x1  }
0x2e: {  	v10 =	vld [tilespmem:s13+$0x0];
	_ =	sdelay $0x4  }
0x2f: {  	(v2sf) =	vpush v10, $0x0;
	_ =	sdelay $0x6  }
0x30: {  	v10, _, _ =	vpop (xrf1)  }
0x31: {  	(xrf0) =	vmax.scan.msk.f32 $0xffff, v10;
	_ =	sdelay $0x5  }
0x32: {  	v11, _, _ =	vpop (xrf0)  }
0x33: {  	s31 =	spop (v2sf);
	v11 =	vbroadcast v11, $0xF  }
0x34: {  	s17 =	scvt.f32.s32 s31  }
0x35: {  	v62 =	vsub.f32 v8, v11  }
0x36: {  	s17 =	ssub.s32 $0x10, s17;
	v13 =	vsub.f32 v9, v11  }
0x37: {  	v63 =	vmov s17;
	v12 =	vmul.f32 $1.442695020e+00, v62  }
0x38: {  	v14 =	vsub.f32 v7, v11;
	vm0 =	veq.s32 v63, v0;
	v13 =	vmul.f32 $1.442695020e+00, v13  }
0x39: {  	(erf) = vpow2.f32 v12;
	v12 =	vnsel vm0, $0xFF61B1E6, v10  }
0x3a: {  	v11 =	vsub.f32 v6, v11;
	v14 =	vmul.f32 $1.442695020e+00, v14;
	(erf) = vpow2.f32 v13;
	(xrf0) =	vmax.scan.msk.f32 $0xffff, v12;
	_ =	sdelay $0x1  }
0x3b: {  	s17 =	simm.s32 $0x40;
	v11 =	vmul.f32 $1.442695020e+00, v11;
	(erf) = vpow2.f32 v14  }
0x3c: {  	v10 =	vld [tilespmem:s17+$0x30]  }
0x3d: {  	(erf) = vpow2.f32 v11  }
0x3e: {  	s19 =	simm.s32 $0x200;
	s18 =	smov.u32 s13;
	v11 =	vld [tilespmem:s17+$0x20]  }
.LBB2_3:
0x3f: {  	p0 =	sne.s32 s19, $0xFF00;
	v12, _, _ =	vpop (xrf0)  }
0x40: {  	v13 =	vld [tilespmem:s17+$0x10];
	v12 =	vbroadcast v12, $0xF  }
0x41: {  	(xrf1) =	vsort.ascd.msk.f32 $0xffff, v10, v10;
	v14 =	vpop (erf)  }
0x42: {  	vm0 =	vge.f32 v8, v12;
	v8 =	vld [tilespmem:s17+$0x0];
	vm1 =	vge.f32 v9, v12;
	v9 =	vpop (erf)  }
0x43: {  	(xrf1) =	vsort.ascd.msk.f32 $0xffff, v11, v11;
	v14 =	vnsel vm0, $0x0, v14;
	v15 =	vnsel vm1, $0x0, v9  }
0x44: {  	vm0 =	vge.f32 v7, v12;
	v7 =	vmov v11;
	v16 =	vadd.f32 v15, v14;
	v9 =	vpop (erf)  }
0x45: {  	(xrf1) =	vsort.ascd.msk.f32 $0xffff, v13, v13;
	v11 =	vnsel vm0, $0x0, v9;
	v9 =	vmov v13  }
0x46: {  	vm0 =	vge.f32 v6, v12;
	v6 =	vmov v10;
	v12 =	vadd.f32 v16, v11;
	v13 =	vpop (erf)  }
0x47: {  	(xrf1) =	vsort.ascd.msk.f32 $0xffff, v8, v8;
	v10 =	vnsel vm0, $0x0, v13  }
0x48: {  	v12 =	vadd.f32 v12, v10;
	_ =	sdelay $0x1  }
0x49: {  	(xrf2) =	vadd.scan.msk.f32 $0xffff, v12;
	_ =	sdelay $0x4  }
0x4a: {  	v12, _, _ =	vpop (xrf1)  }
0x4b: {  	v12 =	vperm.xlane v12, v1  }
0x4c: {  	v13, _, _ =	vpop (xrf1)  }
0x4d: {  	v12 =	vmax.f32 v13, v12  }
0x4e: {  	v13, _, _ =	vpop (xrf1);
	(xrf1) =	vsort.ascd.msk.f32 $0xffff, v12, v12  }
0x4f: {  	v12 =	vperm.xlane v13, v1;
	v13, _, _ =	vpop (xrf2)  }
0x50: {  	v16, _, _ =	vpop (xrf1);
	v13 =	vadd.f32 $0.0e+00, v13  }
0x51: {  	v12 =	vmax.f32 v16, v12  }
0x52: {  	(xrf1) =	vsort.ascd.msk.f32 $0xffff, v12, v12;
	v12 =	vbroadcast v13, $0xF;
	_ =	sdelay $0x1  }
0x53: {  	(erf) = vrcp.f32 v12;
	_ =	sdelay $0x7  }
0x54: {  	v12, _, _ =	vpop (xrf1)  }
0x55: {  	v12 =	vperm.xlane v12, v1;
	v13 =	vpop (erf)  }
0x56: {  	v14 =	vmul.f32 v13, v14;
	v15 =	vmul.f32 v13, v15  }
0x57: {  	v11 =	vmul.f32 v13, v11;
	v10 =	vmul.f32 v13, v10  }
0x58: {  	v13, _, _ =	vpop (xrf1);
	[tilespmem:s16+$0x4000] =	vst v14;
	v5 =	vadd.f32 v14, v5;
	v4 =	vadd.f32 v15, v4  }
0x59: {  	v3 =	vadd.f32 v11, v3;
	v2 =	vadd.f32 v10, v2;
	v12 =	vmax.f32 v13, v12;
	[tilespmem:s16+$0x4010] =	vst v15  }
0x5a: {  	(xrf1) =	vsort.ascd.msk.f32 $0xffff, v12, v12;
	[tilespmem:s16+$0x4020] =	vst v11  }
0x5b: {  	s18 =	sadd.s32 $0x1, s18;
	[tilespmem:s16+$0x4030] =	vst v10;
	s16 =	smov.u32 s17  }
0x5c: {  	v10 =	vld [tilespmem:s18+$0x0];
	_ =	sdelay $0x4  }
0x5d: {  	(v2sf) =	vpush v10, $0x0;
	_ =	sdelay $0x6  }
0x5e: {  	v10, _, _ =	vpop (xrf1)  }
0x5f: {  	(xrf0) =	vmax.scan.msk.f32 $0xffff, v10;
	_ =	sdelay $0x5  }
0x60: {  	v11, _, _ =	vpop (xrf0)  }
0x61: {  	v11 =	vbroadcast v11, $0xF;
	s17 =	spop (v2sf)  }
0x62: {  	s17 =	scvt.f32.s32 s17  }
0x63: {  	v12 =	vsub.f32 v8, v11  }
0x64: {  	v13 =	vsub.f32 v9, v11;
	s17 =	ssub.s32 $0x10, s17  }
0x65: {  	v14 =	vmov s17;
	v12 =	vmul.f32 $1.442695020e+00, v12  }
0x66: {  	v13 =	vmul.f32 $1.442695020e+00, v13;
	vm0 =	veq.s32 v14, v0;
	v14 =	vsub.f32 v7, v11  }
0x67: {  	v10 =	vnsel vm0, $0xFF61B1E6, v10;
	(erf) = vpow2.f32 v12  }
0x68: {  	v11 =	vsub.f32 v6, v11;
	v12 =	vmul.f32 $1.442695020e+00, v14;
	(xrf0) =	vmax.scan.msk.f32 $0xffff, v10;
	(erf) = vpow2.f32 v13  }
.Ltmp0:
0x69: {  	(pc) =	sbr.rel @p0 .LBB2_3-.Ltmp0, $4  }
0x6a: {  	s17 =	sshra.s32 s19, $0x2;
	v11 =	vmul.f32 $1.442695020e+00, v11;
	(erf) = vpow2.f32 v12  }
0x6b: {  	v10 =	vld [tilespmem:s17+$0x30]  }
0x6c: {  	(erf) = vpow2.f32 v11  }
0x6d: {  	s19 =	sadd.s32 $0x100, s19;
	v11 =	vld [tilespmem:s17+$0x20]  }
0x6e: {  	v12, _, _ =	vpop (xrf0)  }
0x6f: {  	v12 =	vbroadcast v12, $0xF  }
0x70: {  	v14 =	vpop (erf)  }
0x71: {  	v13 =	vld [tilespmem:s17+$0x10];
	vm0 =	vge.f32 v8, v12;
	vm1 =	vge.f32 v9, v12;
	v45 =	vpop (erf)  }
0x72: {  	(xrf1) =	vsort.ascd.msk.f32 $0xffff, v10, v10;
	v46 =	vnsel vm0, $0x0, v14;
	v8 =	vnsel vm1, $0x0, v45  }
0x73: {  	v15 =	vld [tilespmem:s17+$0x0];
	vm9 =	vge.f32 v7, v12;
	v7 =	vadd.f32 v8, v46  }
0x74: {  	(xrf1) =	vsort.ascd.msk.f32 $0xffff, v11, v11  }
0x75: {  	v47 =	vpop (erf)  }
0x76: {  	(xrf1) =	vsort.ascd.msk.f32 $0xffff, v13, v13;
	v14 =	vnsel vm9, $0x0, v47  }
0x77: {  	vm10 =	vge.f32 v6, v12;
	v6 =	vadd.f32 v7, v14;
	v7 =	vpop (erf)  }
0x78: {  	(xrf1) =	vsort.ascd.msk.f32 $0xffff, v15, v15;
	v7 =	vnsel vm10, $0x0, v7  }
0x79: {  	v6 =	vadd.f32 v6, v7;
	_ =	sdelay $0x1  }
0x7a: {  	(xrf2) =	vadd.scan.msk.f32 $0xffff, v6;
	_ =	sdelay $0x4  }
0x7b: {  	v6, _, _ =	vpop (xrf1)  }
0x7c: {  	v6 =	vperm.xlane v6, v1  }
0x7d: {  	v48, _, _ =	vpop (xrf1)  }
0x7e: {  	v6 =	vmax.f32 v48, v6  }
0x7f: {  	v16, _, _ =	vpop (xrf1)  }
0x80: {  	v49 =	vperm.xlane v16, v1;
	v50, _, _ =	vpop (xrf2)  }
0x81: {  	(xrf1) =	vsort.ascd.msk.f32 $0xffff, v6, v6;
	v6, _, _ =	vpop (xrf1);
	v16 =	vadd.f32 $0.0e+00, v50  }
0x82: {  	v6 =	vmax.f32 v6, v49  }
0x83: {  	(xrf1) =	vsort.ascd.msk.f32 $0xffff, v6, v6;
	v6 =	vbroadcast v16, $0xF;
	_ =	sdelay $0x1  }
0x84: {  	(erf) = vrcp.f32 v6;
	_ =	sdelay $0x8  }
0x85: {  	v6 =	vpop (erf)  }
0x86: {  	v51, _, _ =	vpop (xrf1);
	v9 =	vmul.f32 v6, v46  }
0x87: {  	v12 =	vperm.xlane v51, v1;
	v8 =	vmul.f32 v6, v8  }
0x88: {  	v14 =	vmul.f32 v6, v14;
	v52, _, _ =	vpop (xrf1);
	[tilespmem:s16+$0x4000] =	vst v9  }
0x89: {  	v6 =	vmul.f32 v6, v7;
	v7 =	vmax.f32 v52, v12;
	[tilespmem:s16+$0x4010] =	vst v8  }
0x8a: {  	(xrf1) =	vsort.ascd.msk.f32 $0xffff, v7, v7;
	[tilespmem:s16+$0x4020] =	vst v14  }
0x8b: {  	s30 =	sadd.s32 $0x1, s18;
	[tilespmem:s16+$0x4030] =	vst v6  }
0x8c: {  	v7 =	vld [tilespmem:s30+$0x0];
	_ =	sdelay $0x4  }
0x8d: {  	(v2sf) =	vpush v7, $0x0;
	_ =	sdelay $0x6  }
0x8e: {  	v7, _, _ =	vpop (xrf1)  }
0x8f: {  	(xrf0) =	vmax.scan.msk.f32 $0xffff, v7;
	_ =	sdelay $0x5  }
0x90: {  	v53, _, _ =	vpop (xrf0)  }
0x91: {  	s31 =	spop (v2sf);
	v12 =	vbroadcast v53, $0xF  }
0x92: {  	s16 =	scvt.f32.s32 s31  }
0x93: {  	v54 =	vsub.f32 v15, v12  }
0x94: {  	s16 =	ssub.s32 $0x10, s16;
	v17 =	vsub.f32 v13, v12  }
0x95: {  	v18 =	vmov s16;
	v16 =	vmul.f32 $1.442695020e+00, v54  }
0x96: {  	v55 =	vsub.f32 v11, v12;
	vm11 =	veq.s32 v18, v0;
	v17 =	vmul.f32 $1.442695020e+00, v17  }
0x97: {  	v7 =	vnsel vm11, $0xFF61B1E6, v7;
	(erf) = vpow2.f32 v16  }
0x98: {  	v12 =	vsub.f32 v10, v12;
	(xrf0) =	vmax.scan.msk.f32 $0xffff, v7;
	v7 =	vmul.f32 $1.442695020e+00, v55;
	(erf) = vpow2.f32 v17;
	_ =	sdelay $0x1  }
0x99: {  	v12 =	vmul.f32 $1.442695020e+00, v12;
	(erf) = vpow2.f32 v7;
	_ =	sdelay $0x1  }
0x9a: {  	(erf) = vpow2.f32 v12;
	_ =	sdelay $0x1  }
0x9b: {  	v7, _, _ =	vpop (xrf0)  }
0x9c: {  	v7 =	vbroadcast v7, $0xF  }
0x9d: {  	v56 =	vpop (erf)  }
0x9e: {  	vm12 =	vge.f32 v15, v7;
	vm13 =	vge.f32 v13, v7;
	v57 =	vpop (erf)  }
0x9f: {  	v12 =	vnsel vm12, $0x0, v56;
	v13 =	vnsel vm13, $0x0, v57  }
0xa0: {  	vm14 =	vge.f32 v11, v7;
	v59 =	vpop (erf);
	v58 =	vadd.f32 v13, v12  }
0xa1: {  	v15 =	vnsel vm14, $0x0, v59  }
0xa2: {  	vm15 =	vge.f32 v10, v7;
	v60 =	vpop (erf);
	v7 =	vadd.f32 v58, v15  }
0xa3: {  	v10 =	vnsel vm15, $0x0, v60  }
0xa4: {  	v7 =	vadd.f32 v7, v10;
	_ =	sdelay $0x1  }
0xa5: {  	(xrf2) =	vadd.scan.msk.f32 $0xffff, v7;
	_ =	sdelay $0x9  }
0xa6: {  	v7, _, _ =	vpop (xrf2)  }
0xa7: {  	v7 =	vadd.f32 $0.0e+00, v7;
	_ =	sdelay $0x1  }
0xa8: {  	v7 =	vbroadcast v7, $0xF;
	_ =	sdelay $0x1  }
0xa9: {  	(erf) = vrcp.f32 v7;
	_ =	sdelay $0x8  }
0xaa: {  	v7 =	vpop (erf)  }
0xab: {  	v61 =	vmul.f32 v7, v12  }
0xac: {  	v62 =	vmul.f32 v7, v13  }
0xad: {  	v63 =	vmul.f32 v7, v15;
	[tilespmem:s17+$0x4000] =	vst v61  }
0xae: {  	s14 =	sadd.s32 $0x1, s14;
	v7 =	vmul.f32 v7, v10;
	[tilespmem:s17+$0x4010] =	vst v62  }
0xaf: {  	p0 =	sne.s32 s14, $0x4;
	[tilespmem:s17+$0x4020] =	vst v63  }
.Ltmp1:
0xb0: {  	s15 =	sadd.s32 s4, s15;
	[tilespmem:s17+$0x4030] =	vst v7;
	(pc) =	sbr.rel @p0 .LBB2_2-.Ltmp1, $4  }
0xb1: {  	v5 =	vadd.f32 v9, v5;
	v4 =	vadd.f32 v8, v4;
	[hbm4b:s15+s3] =	stream.linear.scatter [tilespmem:s10], [sflag:$0x1], $0x4000, $0x38;
	[tilespmem:$0x8500] =	vst v63  }
0xb2: {  	v3 =	vadd.f32 v14, v3;
	v2 =	vadd.f32 v6, v2;
	_ =	swait.ge [sflag:s9], $0x4000  }
0xb3: {  	v5 =	vadd.f32 v61, v5;
	v4 =	vadd.f32 v62, v4;
	[sflag:s9] =	ssyncset.done $0x0  }
0xb4: {  	s13 =	sadd.s32 $0x100, s13;
	v3 =	vadd.f32 v63, v3;
	v2 =	vadd.f32 v7, v2;
	[sflag:s9] =	ssyncadd.s32 $0xFFFFC000  }
0xb5: {  	[tilespmem:$0x8480] =	vst v5  }
0xb6: {  	[tilespmem:$0x8490] =	vst v4;
	s12 =	sadd.s32 $0x1, s12  }
0xb7: {  	[tilespmem:$0x84A0] =	vst v3;
	p0 =	sne.s32 s12, s8  }
.Ltmp2:
0xb8: {  	[tilespmem:$0x84B0] =	vst v2;
	(pc) =	sbr.rel @p0 .LBB2_1-.Ltmp2, $4  }
0xb9: {  	[hbm4b:s7+s3] =	stream.linear.scatter [tilespmem:s11], [sflag:$0x1], $0x80, $0x38;
	[tilespmem:$0x8500] =	vst v63  }
0xba: {  	_ =	swait.ge [sflag:s9], $0x80  }
0xbb: {  	[sflag:s9] =	ssyncset.done $0x0  }
0xbc: {  	[sflag:s9] =	ssyncadd.s32 $0xFFFFFF80  }
0xbd: {  	_ =	sfence.sel $0x180000  }
0xbe: {  	[bflag:$0x0] =	sbarrier.arrive $0xFFFF  }
0xbf: {  	p0 =	sne.s32 s1, $0x0;
	_ =	strace $0x90000047  }
0xc0: {  	s0 =	sadd.s32 @!p0 $0x100000, s0;
	[bflag:$0x2] =	sbarrier.arrive $0xFFFF  }
0xc1: {  	[sflag:s0] =	ssyncadd.tile.s32 @!p0 $0x1;
	_ =	shalt  }
.Lfunc_end2:
_tile_overlayer_lowered:
.L_overlay_start_2:
0xc2: {  	(tag) =	ssettag $0x2  }
0xc3: {  	s0 =	rddreg [dreg:$0x0];
	s2 =	stileid.u32  }
0xc4: {  	s1 =	rddreg [dreg:$0x1];
	p0 =	sne.s32 s2, $0x0  }
0xc5: {  	s3 =	rddreg [dreg:$0x2];
	[bflag:$0x3] =	sbarrier.arrive $0xFFFF;
	s2 =	simm.s32 @!p0 $0x1C01  }
0xc6: {  	[timem:s3], [sflag:s2] =	dma.local @!p0 [hbm:s0], s1  }
0xc7: {  	s0 =	simm.s32 @!p0 $0x1  }
0xc8: {  	_ =	swait.ge @!p0 [sflag:s0], s1  }
0xc9: {  	s1 =	ssub.s32 @!p0 $0x0, s1;
	[sflag:s0] =	ssyncset.done @!p0 $0x0  }
0xca: {  	[sflag:s0] =	ssyncadd.s32 @!p0 s1  }
0xcb: {  	[bflag:$0x3] =	sbarrier.arrive $0xFFFF  }
0xcc: {  	_ =	shalt  }

</sc_bundles>
